<compile_context>
chip_gen: v7x
topology: tpu7x:2x2x1
jax: 0.10.2.dev20260603
libtpu: 0.0.44.dev20260713+nightly
codegen_flags: <defaults>
</compile_context>

<pallas_src>
import functools

import jax
import jax.numpy as jnp
from jax import lax
from jax.experimental import pallas as pl
from jax.experimental.pallas import tpu as pltpu
from jax.experimental.pallas import tpu_sc as plsc

NC = 2
NS = 16
NW = NC * NS


def _make_sc_agg(n_nodes, n_edges, h_dim, chunk):
    epw = n_edges // NW
    nsteps = epw // chunk
    assert nsteps * chunk == epw
    rpt = (n_nodes // NS) // 8 * 8
    rem = n_nodes - NS * rpt
    assert rem % 8 == 0 and rem >= 0

    mesh = plsc.VectorSubcoreMesh(core_axis_name="c", subcore_axis_name="s")

    @functools.partial(
        pl.kernel,
        out_type=jax.ShapeDtypeStruct((NC, n_nodes, h_dim), jnp.float32),
        mesh=mesh,
        scratch_types=[
            pltpu.VMEM((epw,), jnp.int32),
            pltpu.VMEM((nsteps, chunk), jnp.int32),
            pltpu.VMEM((chunk, h_dim), jnp.float32),
            pltpu.VMEM((chunk, h_dim), jnp.float32),
            pltpu.VMEM_SHARED((n_nodes, h_dim), jnp.float32),
            pltpu.SemaphoreType.DMA,
            pltpu.SemaphoreType.DMA,
        ],
    )
    def sc_agg(h_hbm, src_hbm, dst_hbm, zero_hbm, out_hbm,
               sidx, didx, rows0, rows1, acc, gsem0, gsem1):
        c = lax.axis_index("c")
        s = lax.axis_index("s")
        w = c * NS + s
        pltpu.sync_copy(src_hbm.at[w], sidx)
        pltpu.sync_copy(dst_hbm.at[w], didx)

        assert nsteps % 2 == 1 and nsteps >= 3

        def sl(j):
            return sidx.at[pl.ds(j * chunk, chunk)]

        def gather(j, rows, sem):
            pltpu.async_copy(h_hbm.at[sl(j)], rows, sem)

        def gwait(j, rows, sem):
            pltpu.make_async_copy(h_hbm.at[sl(j)], rows, sem).wait()

        def scatter_sync(j, rows):
            pltpu.sync_copy(rows, acc.at[didx.at[j]], add=True)

        gather(0, rows0, gsem0)
        pltpu.sync_copy(zero_hbm.at[pl.ds(0, rpt)], acc.at[pl.ds(s * rpt, rpt)])
        if rem:
            @pl.when(s == NS - 1)
            def _():
                pltpu.sync_copy(zero_hbm.at[pl.ds(0, rem)],
                                acc.at[pl.ds(NS * rpt, rem)])
        plsc.subcore_barrier()

        def pair(t, _):
            j0 = 2 * t
            gather(j0 + 1, rows1, gsem1)
            gwait(j0, rows0, gsem0)
            scatter_sync(j0, rows0)
            gather(j0 + 2, rows0, gsem0)
            gwait(j0 + 1, rows1, gsem1)
            scatter_sync(j0 + 1, rows1)
            return 0

        lax.fori_loop(0, (nsteps - 1) // 2, pair, 0)
        gwait(nsteps - 1, rows0, gsem0)
        scatter_sync(nsteps - 1, rows0)
        plsc.subcore_barrier()
        pltpu.sync_copy(acc.at[pl.ds(s * rpt, rpt)],
                        out_hbm.at[c, pl.ds(s * rpt, rpt)])
        if rem:
            @pl.when(s == NS - 1)
            def _():
                pltpu.sync_copy(acc.at[pl.ds(NS * rpt, rem)],
                                out_hbm.at[c, pl.ds(NS * rpt, rem)])

    return sc_agg


def _dot(a, b):
    return jnp.dot(a.astype(jnp.bfloat16), b.astype(jnp.bfloat16),
                   preferred_element_type=jnp.float32)


def _tc_layer_body(relu, p_ref, h_ref, wr_ref, wroot_ref, br_ref, out_ref):
    agg = p_ref[0] + p_ref[1]
    o = _dot(agg, wr_ref[...]) + _dot(h_ref[...], wroot_ref[...]) + br_ref[...]
    out_ref[...] = jnp.maximum(o, 0.0) if relu else o


def _tc_layer(p, h, wr, wroot, br, relu, bn=2000):
    n, d = h.shape
    grid = n // bn
    return pl.pallas_call(
        functools.partial(_tc_layer_body, relu),
        grid=(grid,),
        in_specs=[
            pl.BlockSpec((2, bn, d), lambda i: (0, i, 0)),
            pl.BlockSpec((bn, d), lambda i: (i, 0)),
            pl.BlockSpec((d, d), lambda i: (0, 0)),
            pl.BlockSpec((d, d), lambda i: (0, 0)),
            pl.BlockSpec((1, d), lambda i: (0, 0)),
        ],
        out_specs=pl.BlockSpec((bn, d), lambda i: (i, 0)),
        out_shape=jax.ShapeDtypeStruct((n, d), jnp.float32),
    )(p, h, wr, wroot, br.reshape(1, d))


def _tc_final_body(nb, grid, p_ref, h_ref, wr_ref, wroot_ref, br_ref,
                   batch_ref, w1_ref, b1_ref, w2_ref, b2_ref,
                   out_ref, pooled_ref):
    i = pl.program_id(0)
    agg = p_ref[0] + p_ref[1]
    h3 = _dot(agg, wr_ref[...]) + _dot(h_ref[...], wroot_ref[...]) + br_ref[...]
    b = batch_ref[0]
    neg = jnp.full(h3.shape, -jnp.inf, jnp.float32)

    @pl.when(i == 0)
    def _():
        pooled_ref[...] = jnp.full_like(pooled_ref, -jnp.inf)

    for seg in range(nb):
        m = b == seg
        v = jnp.max(jnp.where(m, h3, neg), axis=0)
        pooled_ref[seg, :] = jnp.maximum(pooled_ref[seg, :], v)

    @pl.when(i == grid - 1)
    def _():
        po = pooled_ref[...]
        z = jnp.maximum(_dot(po, w1_ref[...]) + b1_ref[...], 0.0)
        out_ref[...] = _dot(z, w2_ref[...]) + b2_ref[...]


def _tc_final(p, h, wr, wroot, br, batch, w1, b1, w2, b2, nb, bn=2000):
    n, d = h.shape
    grid = n // bn
    k = w1.shape[1]
    batch3 = batch.reshape(grid, bn, 1)
    return pl.pallas_call(
        functools.partial(_tc_final_body, nb, grid),
        grid=(grid,),
        in_specs=[
            pl.BlockSpec((2, bn, d), lambda i: (0, i, 0)),
            pl.BlockSpec((bn, d), lambda i: (i, 0)),
            pl.BlockSpec((d, d), lambda i: (0, 0)),
            pl.BlockSpec((d, d), lambda i: (0, 0)),
            pl.BlockSpec((1, d), lambda i: (0, 0)),
            pl.BlockSpec((1, bn, 1), lambda i: (i, 0, 0)),
            pl.BlockSpec((d, k), lambda i: (0, 0)),
            pl.BlockSpec((1, k), lambda i: (0, 0)),
            pl.BlockSpec((k, 1), lambda i: (0, 0)),
            pl.BlockSpec((1, 1), lambda i: (0, 0)),
        ],
        out_specs=pl.BlockSpec((nb, 1), lambda i: (0, 0)),
        out_shape=jax.ShapeDtypeStruct((nb, 1), jnp.float32),
        scratch_shapes=[pltpu.VMEM((nb, d), jnp.float32)],
    )(p, h, wr, wroot, br.reshape(1, d), batch3,
      w1, b1.reshape(1, k), w2, b2.reshape(1, 1))


def kernel(x, edge_index, batch, Wr1, br1, Wroot1, Wr2, br2, Wroot2,
           Wr3, br3, Wroot3, W1, b1, W2, b2):
    n, d = x.shape
    e = edge_index.shape[1]
    nb = 16
    chunk = 80
    nsteps = e // NW // chunk
    src = edge_index[0].reshape(NW, nsteps * chunk)
    dst = edge_index[1].reshape(NW, nsteps, chunk)
    zero = jnp.zeros(((n // NS) // 8 * 8, d), jnp.float32)

    sc_agg = _make_sc_agg(n, e, d, chunk=chunk)

    p1 = sc_agg(x, src, dst, zero)
    h1 = _tc_layer(p1, x, Wr1, Wroot1, br1, relu=True)
    p2 = sc_agg(h1, src, dst, zero)
    h2 = _tc_layer(p2, h1, Wr2, Wroot2, br2, relu=True)
    p3 = sc_agg(h2, src, dst, zero)
    out = _tc_final(p3, h2, Wr3, Wroot3, br3, batch, W1, b1, W2, b2, nb)
    return out

# --- scband reference (transcript-rebuilt; emitter-appended) ---
"""Pipeline reference for scband-gnn-60885456389012 (READ-ONLY COPY).

The authoritative reference and input builder live on the scoring server;
editing this copy changes nothing except your own understanding.
"""

import jax, jax.numpy as jnp
import numpy as np

N = 10000
E = 320000
D = 128
H = 128
B = 16


def _init(k, shape):
    fan_in = shape[0]
    return jax.random.normal(k, shape, dtype=jnp.float32) * (1.0 / np.sqrt(fan_in))


def setup_inputs(seed: int = 0) -> dict:
    key = jax.random.key(seed)
    ks = jax.random.split(key, 16)
    x = jax.random.normal(ks[0], (N, D), dtype=jnp.float32)
    edge_index = jax.random.randint(ks[1], (2, E), 0, N, dtype=jnp.int32)
    batch = jnp.sort(jax.random.randint(ks[2], (N,), 0, B, dtype=jnp.int32))
    inp = {
        'x': x,
        'edge_index': edge_index,
        'batch': batch,
        # GraphConv 1: lin_rel (weight+bias), lin_root (no bias)
        'Wr1': _init(ks[3], (D, H)), 'br1': jnp.zeros((H,), jnp.float32), 'Wroot1': _init(ks[4], (D, H)),
        # GraphConv 2
        'Wr2': _init(ks[5], (H, H)), 'br2': jnp.zeros((H,), jnp.float32), 'Wroot2': _init(ks[6], (H, H)),
        # GraphConv 3
        'Wr3': _init(ks[7], (H, H)), 'br3': jnp.zeros((H,), jnp.float32), 'Wroot3': _init(ks[8], (H, H)),
        # MLP head: H -> 5 -> 1
        'W1': _init(ks[9], (H, 5)), 'b1': jnp.zeros((5,), jnp.float32),
        'W2': _init(ks[10], (5, 1)), 'b2': jnp.zeros((1,), jnp.float32),
    }
    return inp


def reference(x, edge_index, batch, Wr1, br1, Wroot1, Wr2, br2, Wroot2, Wr3, br3, Wroot3, W1, b1, W2, b2):
    src = edge_index[0]
    dst = edge_index[1]

    def graph_conv(h, Wr, br, Wroot):
        # PyG GraphConv with aggr='add': out_i = lin_rel(sum_{j in N(i)} h_j) + lin_root(h_i)
        msg = h[src]
        agg = jax.ops.segment_sum(msg, dst, num_segments=N)
        return agg @ Wr + br + h @ Wroot

    h = jax.nn.relu(graph_conv(x, Wr1, br1, Wroot1))
    h = jax.nn.relu(graph_conv(h, Wr2, br2, Wroot2))
    h = graph_conv(h, Wr3, br3, Wroot3)
    # global_max_pool over batch assignment
    pooled = jax.ops.segment_max(h, batch, num_segments=B)
    # MLP head
    out = jax.nn.relu(pooled @ W1 + b1) @ W2 + b2
    return out

if __name__ == "__main__":
    import jax
    _d = setup_inputs()
    print(jax.jit(kernel)(*tuple(_d.values())))

</pallas_src>

<mosaic_0001>
#map = affine_map<(d0, d1) -> (0, 0)>
#map1 = affine_map<(d0, d1) -> (0, 0, 0)>
module attributes {stable_mosaic.version = 14 : i64} {
  func.func @sc_agg(%arg0: i32, %arg1: i32, %arg2: memref<10000x128xf32, #tpu.memory_space<hbm>>, %arg3: memref<32x10000xi32, #tpu.memory_space<hbm>>, %arg4: memref<32x125x80xi32, #tpu.memory_space<hbm>>, %arg5: memref<624x128xf32, #tpu.memory_space<hbm>>, %arg6: memref<2x10000x128xf32, #tpu.memory_space<hbm>>, %arg7: memref<10000xi32, #tpu.memory_space<vmem>>, %arg8: memref<125x80xi32, #tpu.memory_space<vmem>>, %arg9: memref<80x128xf32, #tpu.memory_space<vmem>>, %arg10: memref<80x128xf32, #tpu.memory_space<vmem>>, %arg11: memref<10000x128xf32, #tpu.memory_space<vmem_shared>>, %arg12: memref<!tpu.dma_semaphore, #tpu.memory_space<semaphore_mem>>, %arg13: memref<!tpu.dma_semaphore, #tpu.memory_space<semaphore_mem>>) attributes {dimension_semantics = [#tpu.dimension_semantics<core_parallel>, #tpu.dimension_semantics<subcore_parallel>], iteration_bounds = array<i64: 2, 16>, scalar_prefetch = 0 : i64, scratch_operands = 7 : i64, tpu.core_type = #tpu.core_type<sc_vector_subcore>, window_params = [{transform_indices = #map}, {transform_indices = #map}, {transform_indices = #map1}, {transform_indices = #map}, {transform_indices = #map1}]} {
    %mul3A = arith.constant 16 : i32
    %mul3A_0 = arith.muli %arg0, %mul3A : i32
    %add3A = arith.addi %mul3A_0, %arg1 : i32
    "tpu.region"() ({
      %run_scoped3A_29 = tpu.sem_alloc : memref<!tpu.dma_semaphore, #tpu.memory_space<semaphore_mem>>
      %dma_start3A_30 = arith.constant 0 : i32
      %dma_start3A_31 = tpu.memref_slice %arg3[%add3A, %dma_start3A_30] : memref<32x10000xi32, #tpu.memory_space<hbm>> -> memref<1x10000xi32, #tpu.memory_space<hbm>>
      %dma_start3A_32 = tpu.memref_squeeze %dma_start3A_31 : memref<1x10000xi32, #tpu.memory_space<hbm>> -> memref<10000xi32, #tpu.memory_space<hbm>>
      %dma_start3A_33 = arith.constant 0 : i32
      %dma_start3A_34 = tpu.memref_slice %arg3[%add3A, %dma_start3A_33] : memref<32x10000xi32, #tpu.memory_space<hbm>> -> memref<1x10000xi32, #tpu.memory_space<hbm>>
      %dma_start3A_35 = tpu.memref_squeeze %dma_start3A_34 : memref<1x10000xi32, #tpu.memory_space<hbm>> -> memref<10000xi32, #tpu.memory_space<hbm>>
      tpu.enqueue_dma source(%dma_start3A_35 : memref<10000xi32, #tpu.memory_space<hbm>>) target(%arg7 : memref<10000xi32, #tpu.memory_space<vmem>>) target_semaphore(%run_scoped3A_29 : memref<!tpu.dma_semaphore, #tpu.memory_space<semaphore_mem>>)
      %dma_wait3A_36 = arith.constant 0 : i32
      %dma_wait3A_37 = tpu.memref_slice %arg3[%add3A, %dma_wait3A_36] : memref<32x10000xi32, #tpu.memory_space<hbm>> -> memref<1x10000xi32, #tpu.memory_space<hbm>>
      %dma_wait3A_38 = tpu.memref_squeeze %dma_wait3A_37 : memref<1x10000xi32, #tpu.memory_space<hbm>> -> memref<10000xi32, #tpu.memory_space<hbm>>
      %dma_wait3A_39 = arith.constant 0 : i32
      %dma_wait3A_40 = tpu.memref_slice %arg3[%add3A, %dma_wait3A_39] : memref<32x10000xi32, #tpu.memory_space<hbm>> -> memref<1x10000xi32, #tpu.memory_space<hbm>>
      %dma_wait3A_41 = tpu.memref_squeeze %dma_wait3A_40 : memref<1x10000xi32, #tpu.memory_space<hbm>> -> memref<10000xi32, #tpu.memory_space<hbm>>
      tpu.wait_dma2 semaphore(%run_scoped3A_29 : memref<!tpu.dma_semaphore, #tpu.memory_space<semaphore_mem>>) src(%dma_wait3A_41 : memref<10000xi32, #tpu.memory_space<hbm>>) dst(%arg7 : memref<10000xi32, #tpu.memory_space<vmem>>)
      tpu.yield
    }) : () -> ()
    "tpu.region"() ({
      %run_scoped3A_29 = tpu.sem_alloc : memref<!tpu.dma_semaphore, #tpu.memory_space<semaphore_mem>>
      %dma_start3A_30 = arith.constant 0 : i32
      %dma_start3A_31 = arith.constant 0 : i32
      %dma_start3A_32 = tpu.memref_slice %arg4[%add3A, %dma_start3A_30, %dma_start3A_31] : memref<32x125x80xi32, #tpu.memory_space<hbm>> -> memref<1x125x80xi32, #tpu.memory_space<hbm>>
      %dma_start3A_33 = tpu.memref_squeeze %dma_start3A_32 : memref<1x125x80xi32, #tpu.memory_space<hbm>> -> memref<125x80xi32, #tpu.memory_space<hbm>>
      %dma_start3A_34 = arith.constant 0 : i32
      %dma_start3A_35 = arith.constant 0 : i32
      %dma_start3A_36 = tpu.memref_slice %arg4[%add3A, %dma_start3A_34, %dma_start3A_35] : memref<32x125x80xi32, #tpu.memory_space<hbm>> -> memref<1x125x80xi32, #tpu.memory_space<hbm>>
      %dma_start3A_37 = tpu.memref_squeeze %dma_start3A_36 : memref<1x125x80xi32, #tpu.memory_space<hbm>> -> memref<125x80xi32, #tpu.memory_space<hbm>>
      tpu.enqueue_dma source(%dma_start3A_37 : memref<125x80xi32, #tpu.memory_space<hbm>>) target(%arg8 : memref<125x80xi32, #tpu.memory_space<vmem>>) target_semaphore(%run_scoped3A_29 : memref<!tpu.dma_semaphore, #tpu.memory_space<semaphore_mem>>)
      %dma_wait3A_38 = arith.constant 0 : i32
      %dma_wait3A_39 = arith.constant 0 : i32
      %dma_wait3A_40 = tpu.memref_slice %arg4[%add3A, %dma_wait3A_38, %dma_wait3A_39] : memref<32x125x80xi32, #tpu.memory_space<hbm>> -> memref<1x125x80xi32, #tpu.memory_space<hbm>>
      %dma_wait3A_41 = tpu.memref_squeeze %dma_wait3A_40 : memref<1x125x80xi32, #tpu.memory_space<hbm>> -> memref<125x80xi32, #tpu.memory_space<hbm>>
      %dma_wait3A_42 = arith.constant 0 : i32
      %dma_wait3A_43 = arith.constant 0 : i32
      %dma_wait3A_44 = tpu.memref_slice %arg4[%add3A, %dma_wait3A_42, %dma_wait3A_43] : memref<32x125x80xi32, #tpu.memory_space<hbm>> -> memref<1x125x80xi32, #tpu.memory_space<hbm>>
      %dma_wait3A_45 = tpu.memref_squeeze %dma_wait3A_44 : memref<1x125x80xi32, #tpu.memory_space<hbm>> -> memref<125x80xi32, #tpu.memory_space<hbm>>
      tpu.wait_dma2 semaphore(%run_scoped3A_29 : memref<!tpu.dma_semaphore, #tpu.memory_space<semaphore_mem>>) src(%dma_wait3A_45 : memref<125x80xi32, #tpu.memory_space<hbm>>) dst(%arg8 : memref<125x80xi32, #tpu.memory_space<vmem>>)
      tpu.yield
    }) : () -> ()
    %dma_start3A = arith.constant 0 : i32
    %dma_start3A_1 = tpu.memref_slice %arg7[%dma_start3A] : memref<10000xi32, #tpu.memory_space<vmem>> -> memref<80xi32, #tpu.memory_space<vmem>>
    %dma_start3A_2 = arith.constant 0 : i32
    %dma_start3A_3 = arith.constant 0 : i32
    %dma_start3A_4 = tpu.memref_slice %arg2[%dma_start3A_2, %dma_start3A_3] : memref<10000x128xf32, #tpu.memory_space<hbm>> -> memref<10000x128xf32, #tpu.memory_space<hbm>>
    tpu.enqueue_indirect_dma source(%dma_start3A_4 : memref<10000x128xf32, #tpu.memory_space<hbm>>) target(%arg9 : memref<80x128xf32, #tpu.memory_space<vmem>>) offsets(%dma_start3A_1 : memref<80xi32, #tpu.memory_space<vmem>>) semaphore(%arg12 : memref<!tpu.dma_semaphore, #tpu.memory_space<semaphore_mem>>)
    %mul3A_5 = arith.constant 624 : i32
    %mul3A_6 = arith.muli %arg1, %mul3A_5 : i32
    "tpu.region"() ({
      %run_scoped3A_29 = tpu.sem_alloc : memref<!tpu.dma_semaphore, #tpu.memory_space<semaphore_mem>>
      %dma_start3A_30 = arith.constant 0 : i32
      %dma_start3A_31 = tpu.memref_slice %arg11[%mul3A_6, %dma_start3A_30] : memref<10000x128xf32, #tpu.memory_space<vmem_shared>> -> memref<624x128xf32, #tpu.memory_space<vmem_shared>>
      %dma_start3A_32 = arith.constant 0 : i32
      %dma_start3A_33 = arith.constant 0 : i32
      %dma_start3A_34 = tpu.memref_slice %arg5[%dma_start3A_32, %dma_start3A_33] : memref<624x128xf32, #tpu.memory_space<hbm>> -> memref<624x128xf32, #tpu.memory_space<hbm>>
      tpu.enqueue_dma source(%dma_start3A_34 : memref<624x128xf32, #tpu.memory_space<hbm>>) target(%dma_start3A_31 : memref<624x128xf32, #tpu.memory_space<vmem_shared>>) target_semaphore(%run_scoped3A_29 : memref<!tpu.dma_semaphore, #tpu.memory_space<semaphore_mem>>)
      %dma_wait3A_35 = arith.constant 0 : i32
      %dma_wait3A_36 = tpu.memref_slice %arg11[%mul3A_6, %dma_wait3A_35] : memref<10000x128xf32, #tpu.memory_space<vmem_shared>> -> memref<624x128xf32, #tpu.memory_space<vmem_shared>>
      %dma_wait3A_37 = arith.constant 0 : i32
      %dma_wait3A_38 = arith.constant 0 : i32
      %dma_wait3A_39 = tpu.memref_slice %arg5[%dma_wait3A_37, %dma_wait3A_38] : memref<624x128xf32, #tpu.memory_space<hbm>> -> memref<624x128xf32, #tpu.memory_space<hbm>>
      tpu.wait_dma2 semaphore(%run_scoped3A_29 : memref<!tpu.dma_semaphore, #tpu.memory_space<semaphore_mem>>) src(%dma_wait3A_39 : memref<624x128xf32, #tpu.memory_space<hbm>>) dst(%dma_wait3A_36 : memref<624x128xf32, #tpu.memory_space<vmem_shared>>)
      tpu.yield
    }) : () -> ()
    %eq3A = arith.constant 15 : i32
    %eq3A_7 = arith.cmpi eq, %arg1, %eq3A : i32
    %convert_element_type3A = arith.extui %eq3A_7 : i1 to i32
    %cond3A = arith.constant 0 : i32
    %cond3A_8 = arith.cmpi ne, %convert_element_type3A, %cond3A : i32
    scf.if %cond3A_8 {
      "tpu.region"() ({
        %run_scoped3A_29 = tpu.sem_alloc : memref<!tpu.dma_semaphore, #tpu.memory_space<semaphore_mem>>
        %dma_start3A_30 = arith.constant 9984 : i32
        %dma_start3A_31 = arith.constant 0 : i32
        %dma_start3A_32 = tpu.memref_slice %arg11[%dma_start3A_30, %dma_start3A_31] : memref<10000x128xf32, #tpu.memory_space<vmem_shared>> -> memref<16x128xf32, #tpu.memory_space<vmem_shared>>
        %dma_start3A_33 = arith.constant 0 : i32
        %dma_start3A_34 = arith.constant 0 : i32
        %dma_start3A_35 = tpu.memref_slice %arg5[%dma_start3A_33, %dma_start3A_34] : memref<624x128xf32, #tpu.memory_space<hbm>> -> memref<16x128xf32, #tpu.memory_space<hbm>>
        tpu.enqueue_dma source(%dma_start3A_35 : memref<16x128xf32, #tpu.memory_space<hbm>>) target(%dma_start3A_32 : memref<16x128xf32, #tpu.memory_space<vmem_shared>>) target_semaphore(%run_scoped3A_29 : memref<!tpu.dma_semaphore, #tpu.memory_space<semaphore_mem>>)
        %dma_wait3A_36 = arith.constant 9984 : i32
        %dma_wait3A_37 = arith.constant 0 : i32
        %dma_wait3A_38 = tpu.memref_slice %arg11[%dma_wait3A_36, %dma_wait3A_37] : memref<10000x128xf32, #tpu.memory_space<vmem_shared>> -> memref<16x128xf32, #tpu.memory_space<vmem_shared>>
        %dma_wait3A_39 = arith.constant 0 : i32
        %dma_wait3A_40 = arith.constant 0 : i32
        %dma_wait3A_41 = tpu.memref_slice %arg5[%dma_wait3A_39, %dma_wait3A_40] : memref<624x128xf32, #tpu.memory_space<hbm>> -> memref<16x128xf32, #tpu.memory_space<hbm>>
        tpu.wait_dma2 semaphore(%run_scoped3A_29 : memref<!tpu.dma_semaphore, #tpu.memory_space<semaphore_mem>>) src(%dma_wait3A_41 : memref<16x128xf32, #tpu.memory_space<hbm>>) dst(%dma_wait3A_38 : memref<16x128xf32, #tpu.memory_space<vmem_shared>>)
        tpu.yield
      }) : () -> ()
    } else {
    }
    %barrier3A = arith.constant 0 : index
    tpu.barrier barrier_id(%barrier3A)
    %scan3A = arith.constant 0 : i32
    %scan3A_9 = arith.constant 0 : i32
    %scan3A_10 = arith.constant 62 : i32
    %scan3A_11 = arith.addi %scan3A_9, %scan3A_10 : i32
    %scan3A_12 = arith.constant 1 : i32
    %scan3A_13 = scf.for %scan3A_29 = %scan3A_9 to %scan3A_11 step %scan3A_12 iter_args(%scan3A_30 = %scan3A) -> (i32)  : i32 {
      %mul3A_31 = arith.constant 2 : i32
      %mul3A_32 = arith.muli %mul3A_31, %scan3A_29 : i32
      %add3A_33 = arith.constant 1 : i32
      %add3A_34 = arith.addi %mul3A_32, %add3A_33 : i32
      %mul3A_35 = arith.constant 80 : i32
      %mul3A_36 = arith.muli %add3A_34, %mul3A_35 : i32
      %dma_start3A_37 = tpu.memref_slice %arg7[%mul3A_36] : memref<10000xi32, #tpu.memory_space<vmem>> -> memref<80xi32, #tpu.memory_space<vmem>>
      %dma_start3A_38 = arith.constant 0 : i32
      %dma_start3A_39 = arith.constant 0 : i32
      %dma_start3A_40 = tpu.memref_slice %arg2[%dma_start3A_38, %dma_start3A_39] : memref<10000x128xf32, #tpu.memory_space<hbm>> -> memref<10000x128xf32, #tpu.memory_space<hbm>>
      tpu.enqueue_indirect_dma source(%dma_start3A_40 : memref<10000x128xf32, #tpu.memory_space<hbm>>) target(%arg10 : memref<80x128xf32, #tpu.memory_space<vmem>>) offsets(%dma_start3A_37 : memref<80xi32, #tpu.memory_space<vmem>>) semaphore(%arg13 : memref<!tpu.dma_semaphore, #tpu.memory_space<semaphore_mem>>)
      %mul3A_41 = arith.constant 80 : i32
      %mul3A_42 = arith.muli %mul3A_32, %mul3A_41 : i32
      %dma_wait3A_43 = tpu.memref_slice %arg7[%mul3A_42] : memref<10000xi32, #tpu.memory_space<vmem>> -> memref<80xi32, #tpu.memory_space<vmem>>
      %dma_wait3A_44 = arith.constant 0 : i32
      %dma_wait3A_45 = arith.constant 0 : i32
      %dma_wait3A_46 = tpu.memref_slice %arg2[%dma_wait3A_44, %dma_wait3A_45] : memref<10000x128xf32, #tpu.memory_space<hbm>> -> memref<10000x128xf32, #tpu.memory_space<hbm>>
      tpu.wait_indirect_dma semaphore(%arg12 : memref<!tpu.dma_semaphore, #tpu.memory_space<semaphore_mem>>) src(%dma_wait3A_46 : memref<10000x128xf32, #tpu.memory_space<hbm>>) dst(%arg9 : memref<80x128xf32, #tpu.memory_space<vmem>>)
      "tpu.region"() ({
        %run_scoped3A_66 = tpu.sem_alloc : memref<!tpu.dma_semaphore, #tpu.memory_space<semaphore_mem>>
        %dma_start3A_67 = arith.constant 0 : i32
        %dma_start3A_68 = tpu.memref_slice %arg8[%mul3A_32, %dma_start3A_67] : memref<125x80xi32, #tpu.memory_space<vmem>> -> memref<1x80xi32, #tpu.memory_space<vmem>>
        %dma_start3A_69 = tpu.memref_squeeze %dma_start3A_68 : memref<1x80xi32, #tpu.memory_space<vmem>> -> memref<80xi32, #tpu.memory_space<vmem>>
        %dma_start3A_70 = arith.constant 0 : i32
        %dma_start3A_71 = arith.constant 0 : i32
        %dma_start3A_72 = tpu.memref_slice %arg11[%dma_start3A_70, %dma_start3A_71] : memref<10000x128xf32, #tpu.memory_space<vmem_shared>> -> memref<10000x128xf32, #tpu.memory_space<vmem_shared>>
        tpu.enqueue_indirect_dma source(%arg9 : memref<80x128xf32, #tpu.memory_space<vmem>>) target(%dma_start3A_72 : memref<10000x128xf32, #tpu.memory_space<vmem_shared>>) offsets(%dma_start3A_69 : memref<80xi32, #tpu.memory_space<vmem>>) semaphore(%run_scoped3A_66 : memref<!tpu.dma_semaphore, #tpu.memory_space<semaphore_mem>>) {add = true}
        %dma_wait3A_73 = arith.constant 0 : i32
        %dma_wait3A_74 = tpu.memref_slice %arg8[%mul3A_32, %dma_wait3A_73] : memref<125x80xi32, #tpu.memory_space<vmem>> -> memref<1x80xi32, #tpu.memory_space<vmem>>
        %dma_wait3A_75 = tpu.memref_squeeze %dma_wait3A_74 : memref<1x80xi32, #tpu.memory_space<vmem>> -> memref<80xi32, #tpu.memory_space<vmem>>
        %dma_wait3A_76 = arith.constant 0 : i32
        %dma_wait3A_77 = arith.constant 0 : i32
        %dma_wait3A_78 = tpu.memref_slice %arg11[%dma_wait3A_76, %dma_wait3A_77] : memref<10000x128xf32, #tpu.memory_space<vmem_shared>> -> memref<10000x128xf32, #tpu.memory_space<vmem_shared>>
        tpu.wait_indirect_dma semaphore(%run_scoped3A_66 : memref<!tpu.dma_semaphore, #tpu.memory_space<semaphore_mem>>) src(%arg9 : memref<80x128xf32, #tpu.memory_space<vmem>>) dst(%dma_wait3A_78 : memref<10000x128xf32, #tpu.memory_space<vmem_shared>>)
        tpu.yield
      }) : () -> ()
      %add3A_47 = arith.constant 2 : i32
      %add3A_48 = arith.addi %mul3A_32, %add3A_47 : i32
      %mul3A_49 = arith.constant 80 : i32
      %mul3A_50 = arith.muli %add3A_48, %mul3A_49 : i32
      %dma_start3A_51 = tpu.memref_slice %arg7[%mul3A_50] : memref<10000xi32, #tpu.memory_space<vmem>> -> memref<80xi32, #tpu.memory_space<vmem>>
      %dma_start3A_52 = arith.constant 0 : i32
      %dma_start3A_53 = arith.constant 0 : i32
      %dma_start3A_54 = tpu.memref_slice %arg2[%dma_start3A_52, %dma_start3A_53] : memref<10000x128xf32, #tpu.memory_space<hbm>> -> memref<10000x128xf32, #tpu.memory_space<hbm>>
      tpu.enqueue_indirect_dma source(%dma_start3A_54 : memref<10000x128xf32, #tpu.memory_space<hbm>>) target(%arg9 : memref<80x128xf32, #tpu.memory_space<vmem>>) offsets(%dma_start3A_51 : memref<80xi32, #tpu.memory_space<vmem>>) semaphore(%arg12 : memref<!tpu.dma_semaphore, #tpu.memory_space<semaphore_mem>>)
      %add3A_55 = arith.constant 1 : i32
      %add3A_56 = arith.addi %mul3A_32, %add3A_55 : i32
      %mul3A_57 = arith.constant 80 : i32
      %mul3A_58 = arith.muli %add3A_56, %mul3A_57 : i32
      %dma_wait3A_59 = tpu.memref_slice %arg7[%mul3A_58] : memref<10000xi32, #tpu.memory_space<vmem>> -> memref<80xi32, #tpu.memory_space<vmem>>
      %dma_wait3A_60 = arith.constant 0 : i32
      %dma_wait3A_61 = arith.constant 0 : i32
      %dma_wait3A_62 = tpu.memref_slice %arg2[%dma_wait3A_60, %dma_wait3A_61] : memref<10000x128xf32, #tpu.memory_space<hbm>> -> memref<10000x128xf32, #tpu.memory_space<hbm>>
      tpu.wait_indirect_dma semaphore(%arg13 : memref<!tpu.dma_semaphore, #tpu.memory_space<semaphore_mem>>) src(%dma_wait3A_62 : memref<10000x128xf32, #tpu.memory_space<hbm>>) dst(%arg10 : memref<80x128xf32, #tpu.memory_space<vmem>>)
      %add3A_63 = arith.constant 1 : i32
      %add3A_64 = arith.addi %mul3A_32, %add3A_63 : i32
      "tpu.region"() ({
        %run_scoped3A_66 = tpu.sem_alloc : memref<!tpu.dma_semaphore, #tpu.memory_space<semaphore_mem>>
        %dma_start3A_67 = arith.constant 0 : i32
        %dma_start3A_68 = tpu.memref_slice %arg8[%add3A_64, %dma_start3A_67] : memref<125x80xi32, #tpu.memory_space<vmem>> -> memref<1x80xi32, #tpu.memory_space<vmem>>
        %dma_start3A_69 = tpu.memref_squeeze %dma_start3A_68 : memref<1x80xi32, #tpu.memory_space<vmem>> -> memref<80xi32, #tpu.memory_space<vmem>>
        %dma_start3A_70 = arith.constant 0 : i32
        %dma_start3A_71 = arith.constant 0 : i32
        %dma_start3A_72 = tpu.memref_slice %arg11[%dma_start3A_70, %dma_start3A_71] : memref<10000x128xf32, #tpu.memory_space<vmem_shared>> -> memref<10000x128xf32, #tpu.memory_space<vmem_shared>>
        tpu.enqueue_indirect_dma source(%arg10 : memref<80x128xf32, #tpu.memory_space<vmem>>) target(%dma_start3A_72 : memref<10000x128xf32, #tpu.memory_space<vmem_shared>>) offsets(%dma_start3A_69 : memref<80xi32, #tpu.memory_space<vmem>>) semaphore(%run_scoped3A_66 : memref<!tpu.dma_semaphore, #tpu.memory_space<semaphore_mem>>) {add = true}
        %dma_wait3A_73 = arith.constant 0 : i32
        %dma_wait3A_74 = tpu.memref_slice %arg8[%add3A_64, %dma_wait3A_73] : memref<125x80xi32, #tpu.memory_space<vmem>> -> memref<1x80xi32, #tpu.memory_space<vmem>>
        %dma_wait3A_75 = tpu.memref_squeeze %dma_wait3A_74 : memref<1x80xi32, #tpu.memory_space<vmem>> -> memref<80xi32, #tpu.memory_space<vmem>>
        %dma_wait3A_76 = arith.constant 0 : i32
        %dma_wait3A_77 = arith.constant 0 : i32
        %dma_wait3A_78 = tpu.memref_slice %arg11[%dma_wait3A_76, %dma_wait3A_77] : memref<10000x128xf32, #tpu.memory_space<vmem_shared>> -> memref<10000x128xf32, #tpu.memory_space<vmem_shared>>
        tpu.wait_indirect_dma semaphore(%run_scoped3A_66 : memref<!tpu.dma_semaphore, #tpu.memory_space<semaphore_mem>>) src(%arg10 : memref<80x128xf32, #tpu.memory_space<vmem>>) dst(%dma_wait3A_78 : memref<10000x128xf32, #tpu.memory_space<vmem_shared>>)
        tpu.yield
      }) : () -> ()
      %scan3A_65 = arith.constant 0 : i32
      scf.yield %scan3A_65 : i32
    }
    %scan3A_14 = arith.constant 62 : i32
    %dma_wait3A = arith.constant 9920 : i32
    %dma_wait3A_15 = tpu.memref_slice %arg7[%dma_wait3A] : memref<10000xi32, #tpu.memory_space<vmem>> -> memref<80xi32, #tpu.memory_space<vmem>>
    %dma_wait3A_16 = arith.constant 0 : i32
    %dma_wait3A_17 = arith.constant 0 : i32
    %dma_wait3A_18 = tpu.memref_slice %arg2[%dma_wait3A_16, %dma_wait3A_17] : memref<10000x128xf32, #tpu.memory_space<hbm>> -> memref<10000x128xf32, #tpu.memory_space<hbm>>
    tpu.wait_indirect_dma semaphore(%arg12 : memref<!tpu.dma_semaphore, #tpu.memory_space<semaphore_mem>>) src(%dma_wait3A_18 : memref<10000x128xf32, #tpu.memory_space<hbm>>) dst(%arg9 : memref<80x128xf32, #tpu.memory_space<vmem>>)
    %run_scoped3A = arith.constant 124 : i32
    "tpu.region"() ({
      %run_scoped3A_29 = tpu.sem_alloc : memref<!tpu.dma_semaphore, #tpu.memory_space<semaphore_mem>>
      %dma_start3A_30 = arith.constant 0 : i32
      %dma_start3A_31 = tpu.memref_slice %arg8[%run_scoped3A, %dma_start3A_30] : memref<125x80xi32, #tpu.memory_space<vmem>> -> memref<1x80xi32, #tpu.memory_space<vmem>>
      %dma_start3A_32 = tpu.memref_squeeze %dma_start3A_31 : memref<1x80xi32, #tpu.memory_space<vmem>> -> memref<80xi32, #tpu.memory_space<vmem>>
      %dma_start3A_33 = arith.constant 0 : i32
      %dma_start3A_34 = arith.constant 0 : i32
      %dma_start3A_35 = tpu.memref_slice %arg11[%dma_start3A_33, %dma_start3A_34] : memref<10000x128xf32, #tpu.memory_space<vmem_shared>> -> memref<10000x128xf32, #tpu.memory_space<vmem_shared>>
      tpu.enqueue_indirect_dma source(%arg9 : memref<80x128xf32, #tpu.memory_space<vmem>>) target(%dma_start3A_35 : memref<10000x128xf32, #tpu.memory_space<vmem_shared>>) offsets(%dma_start3A_32 : memref<80xi32, #tpu.memory_space<vmem>>) semaphore(%run_scoped3A_29 : memref<!tpu.dma_semaphore, #tpu.memory_space<semaphore_mem>>) {add = true}
      %dma_wait3A_36 = arith.constant 0 : i32
      %dma_wait3A_37 = tpu.memref_slice %arg8[%run_scoped3A, %dma_wait3A_36] : memref<125x80xi32, #tpu.memory_space<vmem>> -> memref<1x80xi32, #tpu.memory_space<vmem>>
      %dma_wait3A_38 = tpu.memref_squeeze %dma_wait3A_37 : memref<1x80xi32, #tpu.memory_space<vmem>> -> memref<80xi32, #tpu.memory_space<vmem>>
      %dma_wait3A_39 = arith.constant 0 : i32
      %dma_wait3A_40 = arith.constant 0 : i32
      %dma_wait3A_41 = tpu.memref_slice %arg11[%dma_wait3A_39, %dma_wait3A_40] : memref<10000x128xf32, #tpu.memory_space<vmem_shared>> -> memref<10000x128xf32, #tpu.memory_space<vmem_shared>>
      tpu.wait_indirect_dma semaphore(%run_scoped3A_29 : memref<!tpu.dma_semaphore, #tpu.memory_space<semaphore_mem>>) src(%arg9 : memref<80x128xf32, #tpu.memory_space<vmem>>) dst(%dma_wait3A_41 : memref<10000x128xf32, #tpu.memory_space<vmem_shared>>)
      tpu.yield
    }) : () -> ()
    %barrier3A_19 = arith.constant 0 : index
    tpu.barrier barrier_id(%barrier3A_19)
    %mul3A_20 = arith.constant 624 : i32
    %mul3A_21 = arith.muli %arg1, %mul3A_20 : i32
    %mul3A_22 = arith.constant 624 : i32
    %mul3A_23 = arith.muli %arg1, %mul3A_22 : i32
    "tpu.region"() ({
      %run_scoped3A_29 = tpu.sem_alloc : memref<!tpu.dma_semaphore, #tpu.memory_space<semaphore_mem>>
      %dma_start3A_30 = arith.constant 0 : i32
      %dma_start3A_31 = tpu.memref_slice %arg6[%arg0, %mul3A_23, %dma_start3A_30] : memref<2x10000x128xf32, #tpu.memory_space<hbm>> -> memref<1x624x128xf32, #tpu.memory_space<hbm>>
      %dma_start3A_32 = tpu.memref_squeeze %dma_start3A_31 : memref<1x624x128xf32, #tpu.memory_space<hbm>> -> memref<624x128xf32, #tpu.memory_space<hbm>>
      %dma_start3A_33 = arith.constant 0 : i32
      %dma_start3A_34 = tpu.memref_slice %arg11[%mul3A_21, %dma_start3A_33] : memref<10000x128xf32, #tpu.memory_space<vmem_shared>> -> memref<624x128xf32, #tpu.memory_space<vmem_shared>>
      tpu.enqueue_dma source(%dma_start3A_34 : memref<624x128xf32, #tpu.memory_space<vmem_shared>>) target(%dma_start3A_32 : memref<624x128xf32, #tpu.memory_space<hbm>>) target_semaphore(%run_scoped3A_29 : memref<!tpu.dma_semaphore, #tpu.memory_space<semaphore_mem>>)
      %dma_wait3A_35 = arith.constant 0 : i32
      %dma_wait3A_36 = tpu.memref_slice %arg6[%arg0, %mul3A_23, %dma_wait3A_35] : memref<2x10000x128xf32, #tpu.memory_space<hbm>> -> memref<1x624x128xf32, #tpu.memory_space<hbm>>
      %dma_wait3A_37 = tpu.memref_squeeze %dma_wait3A_36 : memref<1x624x128xf32, #tpu.memory_space<hbm>> -> memref<624x128xf32, #tpu.memory_space<hbm>>
      %dma_wait3A_38 = arith.constant 0 : i32
      %dma_wait3A_39 = tpu.memref_slice %arg11[%mul3A_21, %dma_wait3A_38] : memref<10000x128xf32, #tpu.memory_space<vmem_shared>> -> memref<624x128xf32, #tpu.memory_space<vmem_shared>>
      tpu.wait_dma2 semaphore(%run_scoped3A_29 : memref<!tpu.dma_semaphore, #tpu.memory_space<semaphore_mem>>) src(%dma_wait3A_39 : memref<624x128xf32, #tpu.memory_space<vmem_shared>>) dst(%dma_wait3A_37 : memref<624x128xf32, #tpu.memory_space<hbm>>)
      tpu.yield
    }) : () -> ()
    %eq3A_24 = arith.constant 15 : i32
    %eq3A_25 = arith.cmpi eq, %arg1, %eq3A_24 : i32
    %convert_element_type3A_26 = arith.extui %eq3A_25 : i1 to i32
    %cond3A_27 = arith.constant 0 : i32
    %cond3A_28 = arith.cmpi ne, %convert_element_type3A_26, %cond3A_27 : i32
    scf.if %cond3A_28 {
      "tpu.region"() ({
        %run_scoped3A_29 = tpu.sem_alloc : memref<!tpu.dma_semaphore, #tpu.memory_space<semaphore_mem>>
        %dma_start3A_30 = arith.constant 9984 : i32
        %dma_start3A_31 = arith.constant 0 : i32
        %dma_start3A_32 = tpu.memref_slice %arg6[%arg0, %dma_start3A_30, %dma_start3A_31] : memref<2x10000x128xf32, #tpu.memory_space<hbm>> -> memref<1x16x128xf32, #tpu.memory_space<hbm>>
        %dma_start3A_33 = tpu.memref_squeeze %dma_start3A_32 : memref<1x16x128xf32, #tpu.memory_space<hbm>> -> memref<16x128xf32, #tpu.memory_space<hbm>>
        %dma_start3A_34 = arith.constant 9984 : i32
        %dma_start3A_35 = arith.constant 0 : i32
        %dma_start3A_36 = tpu.memref_slice %arg11[%dma_start3A_34, %dma_start3A_35] : memref<10000x128xf32, #tpu.memory_space<vmem_shared>> -> memref<16x128xf32, #tpu.memory_space<vmem_shared>>
        tpu.enqueue_dma source(%dma_start3A_36 : memref<16x128xf32, #tpu.memory_space<vmem_shared>>) target(%dma_start3A_33 : memref<16x128xf32, #tpu.memory_space<hbm>>) target_semaphore(%run_scoped3A_29 : memref<!tpu.dma_semaphore, #tpu.memory_space<semaphore_mem>>)
        %dma_wait3A_37 = arith.constant 9984 : i32
        %dma_wait3A_38 = arith.constant 0 : i32
        %dma_wait3A_39 = tpu.memref_slice %arg6[%arg0, %dma_wait3A_37, %dma_wait3A_38] : memref<2x10000x128xf32, #tpu.memory_space<hbm>> -> memref<1x16x128xf32, #tpu.memory_space<hbm>>
        %dma_wait3A_40 = tpu.memref_squeeze %dma_wait3A_39 : memref<1x16x128xf32, #tpu.memory_space<hbm>> -> memref<16x128xf32, #tpu.memory_space<hbm>>
        %dma_wait3A_41 = arith.constant 9984 : i32
        %dma_wait3A_42 = arith.constant 0 : i32
        %dma_wait3A_43 = tpu.memref_slice %arg11[%dma_wait3A_41, %dma_wait3A_42] : memref<10000x128xf32, #tpu.memory_space<vmem_shared>> -> memref<16x128xf32, #tpu.memory_space<vmem_shared>>
        tpu.wait_dma2 semaphore(%run_scoped3A_29 : memref<!tpu.dma_semaphore, #tpu.memory_space<semaphore_mem>>) src(%dma_wait3A_43 : memref<16x128xf32, #tpu.memory_space<vmem_shared>>) dst(%dma_wait3A_40 : memref<16x128xf32, #tpu.memory_space<hbm>>)
        tpu.yield
      }) : () -> ()
    } else {
    }
    return
  }
}

#map = affine_map<(d0, d1) -> (0, 0)>
#map1 = affine_map<(d0, d1) -> (0, 0, 0)>
module attributes {stable_mosaic.version = 14 : i64} {
  func.func @sc_agg(%arg0: i32, %arg1: i32, %arg2: memref<10000x128xf32, #tpu.memory_space<hbm>>, %arg3: memref<32x10000xi32, #tpu.memory_space<hbm>>, %arg4: memref<32x125x80xi32, #tpu.memory_space<hbm>>, %arg5: memref<624x128xf32, #tpu.memory_space<hbm>>, %arg6: memref<2x10000x128xf32, #tpu.memory_space<hbm>>, %arg7: memref<10000xi32, #tpu.memory_space<vmem>>, %arg8: memref<125x80xi32, #tpu.memory_space<vmem>>, %arg9: memref<80x128xf32, #tpu.memory_space<vmem>>, %arg10: memref<80x128xf32, #tpu.memory_space<vmem>>, %arg11: memref<10000x128xf32, #tpu.memory_space<vmem_shared>>, %arg12: memref<!tpu.dma_semaphore, #tpu.memory_space<semaphore_mem>>, %arg13: memref<!tpu.dma_semaphore, #tpu.memory_space<semaphore_mem>>) attributes {dimension_semantics = [#tpu.dimension_semantics<core_parallel>, #tpu.dimension_semantics<subcore_parallel>], iteration_bounds = array<i64: 2, 16>, scalar_prefetch = 0 : i64, scratch_operands = 7 : i64, tpu.core_type = #tpu.core_type<sc_vector_subcore>, window_params = [{transform_indices = #map}, {transform_indices = #map}, {transform_indices = #map1}, {transform_indices = #map}, {transform_indices = #map1}]} {
    %mul3A = arith.constant 16 : i32
    %mul3A_0 = arith.muli %arg0, %mul3A : i32
    %add3A = arith.addi %mul3A_0, %arg1 : i32
    "tpu.region"() ({
      %run_scoped3A_29 = tpu.sem_alloc : memref<!tpu.dma_semaphore, #tpu.memory_space<semaphore_mem>>
      %dma_start3A_30 = arith.constant 0 : i32
      %dma_start3A_31 = tpu.memref_slice %arg3[%add3A, %dma_start3A_30] : memref<32x10000xi32, #tpu.memory_space<hbm>> -> memref<1x10000xi32, #tpu.memory_space<hbm>>
      %dma_start3A_32 = tpu.memref_squeeze %dma_start3A_31 : memref<1x10000xi32, #tpu.memory_space<hbm>> -> memref<10000xi32, #tpu.memory_space<hbm>>
      %dma_start3A_33 = arith.constant 0 : i32
      %dma_start3A_34 = tpu.memref_slice %arg3[%add3A, %dma_start3A_33] : memref<32x10000xi32, #tpu.memory_space<hbm>> -> memref<1x10000xi32, #tpu.memory_space<hbm>>
      %dma_start3A_35 = tpu.memref_squeeze %dma_start3A_34 : memref<1x10000xi32, #tpu.memory_space<hbm>> -> memref<10000xi32, #tpu.memory_space<hbm>>
      tpu.enqueue_dma source(%dma_start3A_35 : memref<10000xi32, #tpu.memory_space<hbm>>) target(%arg7 : memref<10000xi32, #tpu.memory_space<vmem>>) target_semaphore(%run_scoped3A_29 : memref<!tpu.dma_semaphore, #tpu.memory_space<semaphore_mem>>)
      %dma_wait3A_36 = arith.constant 0 : i32
      %dma_wait3A_37 = tpu.memref_slice %arg3[%add3A, %dma_wait3A_36] : memref<32x10000xi32, #tpu.memory_space<hbm>> -> memref<1x10000xi32, #tpu.memory_space<hbm>>
      %dma_wait3A_38 = tpu.memref_squeeze %dma_wait3A_37 : memref<1x10000xi32, #tpu.memory_space<hbm>> -> memref<10000xi32, #tpu.memory_space<hbm>>
      %dma_wait3A_39 = arith.constant 0 : i32
      %dma_wait3A_40 = tpu.memref_slice %arg3[%add3A, %dma_wait3A_39] : memref<32x10000xi32, #tpu.memory_space<hbm>> -> memref<1x10000xi32, #tpu.memory_space<hbm>>
      %dma_wait3A_41 = tpu.memref_squeeze %dma_wait3A_40 : memref<1x10000xi32, #tpu.memory_space<hbm>> -> memref<10000xi32, #tpu.memory_space<hbm>>
      tpu.wait_dma2 semaphore(%run_scoped3A_29 : memref<!tpu.dma_semaphore, #tpu.memory_space<semaphore_mem>>) src(%dma_wait3A_41 : memref<10000xi32, #tpu.memory_space<hbm>>) dst(%arg7 : memref<10000xi32, #tpu.memory_space<vmem>>)
      tpu.yield
    }) : () -> ()
    "tpu.region"() ({
      %run_scoped3A_29 = tpu.sem_alloc : memref<!tpu.dma_semaphore, #tpu.memory_space<semaphore_mem>>
      %dma_start3A_30 = arith.constant 0 : i32
      %dma_start3A_31 = arith.constant 0 : i32
      %dma_start3A_32 = tpu.memref_slice %arg4[%add3A, %dma_start3A_30, %dma_start3A_31] : memref<32x125x80xi32, #tpu.memory_space<hbm>> -> memref<1x125x80xi32, #tpu.memory_space<hbm>>
      %dma_start3A_33 = tpu.memref_squeeze %dma_start3A_32 : memref<1x125x80xi32, #tpu.memory_space<hbm>> -> memref<125x80xi32, #tpu.memory_space<hbm>>
      %dma_start3A_34 = arith.constant 0 : i32
      %dma_start3A_35 = arith.constant 0 : i32
      %dma_start3A_36 = tpu.memref_slice %arg4[%add3A, %dma_start3A_34, %dma_start3A_35] : memref<32x125x80xi32, #tpu.memory_space<hbm>> -> memref<1x125x80xi32, #tpu.memory_space<hbm>>
      %dma_start3A_37 = tpu.memref_squeeze %dma_start3A_36 : memref<1x125x80xi32, #tpu.memory_space<hbm>> -> memref<125x80xi32, #tpu.memory_space<hbm>>
      tpu.enqueue_dma source(%dma_start3A_37 : memref<125x80xi32, #tpu.memory_space<hbm>>) target(%arg8 : memref<125x80xi32, #tpu.memory_space<vmem>>) target_semaphore(%run_scoped3A_29 : memref<!tpu.dma_semaphore, #tpu.memory_space<semaphore_mem>>)
      %dma_wait3A_38 = arith.constant 0 : i32
      %dma_wait3A_39 = arith.constant 0 : i32
      %dma_wait3A_40 = tpu.memref_slice %arg4[%add3A, %dma_wait3A_38, %dma_wait3A_39] : memref<32x125x80xi32, #tpu.memory_space<hbm>> -> memref<1x125x80xi32, #tpu.memory_space<hbm>>
      %dma_wait3A_41 = tpu.memref_squeeze %dma_wait3A_40 : memref<1x125x80xi32, #tpu.memory_space<hbm>> -> memref<125x80xi32, #tpu.memory_space<hbm>>
      %dma_wait3A_42 = arith.constant 0 : i32
      %dma_wait3A_43 = arith.constant 0 : i32
      %dma_wait3A_44 = tpu.memref_slice %arg4[%add3A, %dma_wait3A_42, %dma_wait3A_43] : memref<32x125x80xi32, #tpu.memory_space<hbm>> -> memref<1x125x80xi32, #tpu.memory_space<hbm>>
      %dma_wait3A_45 = tpu.memref_squeeze %dma_wait3A_44 : memref<1x125x80xi32, #tpu.memory_space<hbm>> -> memref<125x80xi32, #tpu.memory_space<hbm>>
      tpu.wait_dma2 semaphore(%run_scoped3A_29 : memref<!tpu.dma_semaphore, #tpu.memory_space<semaphore_mem>>) src(%dma_wait3A_45 : memref<125x80xi32, #tpu.memory_space<hbm>>) dst(%arg8 : memref<125x80xi32, #tpu.memory_space<vmem>>)
      tpu.yield
    }) : () -> ()
    %dma_start3A = arith.constant 0 : i32
    %dma_start3A_1 = tpu.memref_slice %arg7[%dma_start3A] : memref<10000xi32, #tpu.memory_space<vmem>> -> memref<80xi32, #tpu.memory_space<vmem>>
    %dma_start3A_2 = arith.constant 0 : i32
    %dma_start3A_3 = arith.constant 0 : i32
    %dma_start3A_4 = tpu.memref_slice %arg2[%dma_start3A_2, %dma_start3A_3] : memref<10000x128xf32, #tpu.memory_space<hbm>> -> memref<10000x128xf32, #tpu.memory_space<hbm>>
    tpu.enqueue_indirect_dma source(%dma_start3A_4 : memref<10000x128xf32, #tpu.memory_space<hbm>>) target(%arg9 : memref<80x128xf32, #tpu.memory_space<vmem>>) offsets(%dma_start3A_1 : memref<80xi32, #tpu.memory_space<vmem>>) semaphore(%arg12 : memref<!tpu.dma_semaphore, #tpu.memory_space<semaphore_mem>>)
    %mul3A_5 = arith.constant 624 : i32
    %mul3A_6 = arith.muli %arg1, %mul3A_5 : i32
    "tpu.region"() ({
      %run_scoped3A_29 = tpu.sem_alloc : memref<!tpu.dma_semaphore, #tpu.memory_space<semaphore_mem>>
      %dma_start3A_30 = arith.constant 0 : i32
      %dma_start3A_31 = tpu.memref_slice %arg11[%mul3A_6, %dma_start3A_30] : memref<10000x128xf32, #tpu.memory_space<vmem_shared>> -> memref<624x128xf32, #tpu.memory_space<vmem_shared>>
      %dma_start3A_32 = arith.constant 0 : i32
      %dma_start3A_33 = arith.constant 0 : i32
      %dma_start3A_34 = tpu.memref_slice %arg5[%dma_start3A_32, %dma_start3A_33] : memref<624x128xf32, #tpu.memory_space<hbm>> -> memref<624x128xf32, #tpu.memory_space<hbm>>
      tpu.enqueue_dma source(%dma_start3A_34 : memref<624x128xf32, #tpu.memory_space<hbm>>) target(%dma_start3A_31 : memref<624x128xf32, #tpu.memory_space<vmem_shared>>) target_semaphore(%run_scoped3A_29 : memref<!tpu.dma_semaphore, #tpu.memory_space<semaphore_mem>>)
      %dma_wait3A_35 = arith.constant 0 : i32
      %dma_wait3A_36 = tpu.memref_slice %arg11[%mul3A_6, %dma_wait3A_35] : memref<10000x128xf32, #tpu.memory_space<vmem_shared>> -> memref<624x128xf32, #tpu.memory_space<vmem_shared>>
      %dma_wait3A_37 = arith.constant 0 : i32
      %dma_wait3A_38 = arith.constant 0 : i32
      %dma_wait3A_39 = tpu.memref_slice %arg5[%dma_wait3A_37, %dma_wait3A_38] : memref<624x128xf32, #tpu.memory_space<hbm>> -> memref<624x128xf32, #tpu.memory_space<hbm>>
      tpu.wait_dma2 semaphore(%run_scoped3A_29 : memref<!tpu.dma_semaphore, #tpu.memory_space<semaphore_mem>>) src(%dma_wait3A_39 : memref<624x128xf32, #tpu.memory_space<hbm>>) dst(%dma_wait3A_36 : memref<624x128xf32, #tpu.memory_space<vmem_shared>>)
      tpu.yield
    }) : () -> ()
    %eq3A = arith.constant 15 : i32
    %eq3A_7 = arith.cmpi eq, %arg1, %eq3A : i32
    %convert_element_type3A = arith.extui %eq3A_7 : i1 to i32
    %cond3A = arith.constant 0 : i32
    %cond3A_8 = arith.cmpi ne, %convert_element_type3A, %cond3A : i32
    scf.if %cond3A_8 {
      "tpu.region"() ({
        %run_scoped3A_29 = tpu.sem_alloc : memref<!tpu.dma_semaphore, #tpu.memory_space<semaphore_mem>>
        %dma_start3A_30 = arith.constant 9984 : i32
        %dma_start3A_31 = arith.constant 0 : i32
        %dma_start3A_32 = tpu.memref_slice %arg11[%dma_start3A_30, %dma_start3A_31] : memref<10000x128xf32, #tpu.memory_space<vmem_shared>> -> memref<16x128xf32, #tpu.memory_space<vmem_shared>>
        %dma_start3A_33 = arith.constant 0 : i32
        %dma_start3A_34 = arith.constant 0 : i32
        %dma_start3A_35 = tpu.memref_slice %arg5[%dma_start3A_33, %dma_start3A_34] : memref<624x128xf32, #tpu.memory_space<hbm>> -> memref<16x128xf32, #tpu.memory_space<hbm>>
        tpu.enqueue_dma source(%dma_start3A_35 : memref<16x128xf32, #tpu.memory_space<hbm>>) target(%dma_start3A_32 : memref<16x128xf32, #tpu.memory_space<vmem_shared>>) target_semaphore(%run_scoped3A_29 : memref<!tpu.dma_semaphore, #tpu.memory_space<semaphore_mem>>)
        %dma_wait3A_36 = arith.constant 9984 : i32
        %dma_wait3A_37 = arith.constant 0 : i32
        %dma_wait3A_38 = tpu.memref_slice %arg11[%dma_wait3A_36, %dma_wait3A_37] : memref<10000x128xf32, #tpu.memory_space<vmem_shared>> -> memref<16x128xf32, #tpu.memory_space<vmem_shared>>
        %dma_wait3A_39 = arith.constant 0 : i32
        %dma_wait3A_40 = arith.constant 0 : i32
        %dma_wait3A_41 = tpu.memref_slice %arg5[%dma_wait3A_39, %dma_wait3A_40] : memref<624x128xf32, #tpu.memory_space<hbm>> -> memref<16x128xf32, #tpu.memory_space<hbm>>
        tpu.wait_dma2 semaphore(%run_scoped3A_29 : memref<!tpu.dma_semaphore, #tpu.memory_space<semaphore_mem>>) src(%dma_wait3A_41 : memref<16x128xf32, #tpu.memory_space<hbm>>) dst(%dma_wait3A_38 : memref<16x128xf32, #tpu.memory_space<vmem_shared>>)
        tpu.yield
      }) : () -> ()
    } else {
    }
    %barrier3A = arith.constant 0 : index
    tpu.barrier barrier_id(%barrier3A)
    %scan3A = arith.constant 0 : i32
    %scan3A_9 = arith.constant 0 : i32
    %scan3A_10 = arith.constant 62 : i32
    %scan3A_11 = arith.addi %scan3A_9, %scan3A_10 : i32
    %scan3A_12 = arith.constant 1 : i32
    %scan3A_13 = scf.for %scan3A_29 = %scan3A_9 to %scan3A_11 step %scan3A_12 iter_args(%scan3A_30 = %scan3A) -> (i32)  : i32 {
      %mul3A_31 = arith.constant 2 : i32
      %mul3A_32 = arith.muli %mul3A_31, %scan3A_29 : i32
      %add3A_33 = arith.constant 1 : i32
      %add3A_34 = arith.addi %mul3A_32, %add3A_33 : i32
      %mul3A_35 = arith.constant 80 : i32
      %mul3A_36 = arith.muli %add3A_34, %mul3A_35 : i32
      %dma_start3A_37 = tpu.memref_slice %arg7[%mul3A_36] : memref<10000xi32, #tpu.memory_space<vmem>> -> memref<80xi32, #tpu.memory_space<vmem>>
      %dma_start3A_38 = arith.constant 0 : i32
      %dma_start3A_39 = arith.constant 0 : i32
      %dma_start3A_40 = tpu.memref_slice %arg2[%dma_start3A_38, %dma_start3A_39] : memref<10000x128xf32, #tpu.memory_space<hbm>> -> memref<10000x128xf32, #tpu.memory_space<hbm>>
      tpu.enqueue_indirect_dma source(%dma_start3A_40 : memref<10000x128xf32, #tpu.memory_space<hbm>>) target(%arg10 : memref<80x128xf32, #tpu.memory_space<vmem>>) offsets(%dma_start3A_37 : memref<80xi32, #tpu.memory_space<vmem>>) semaphore(%arg13 : memref<!tpu.dma_semaphore, #tpu.memory_space<semaphore_mem>>)
      %mul3A_41 = arith.constant 80 : i32
      %mul3A_42 = arith.muli %mul3A_32, %mul3A_41 : i32
      %dma_wait3A_43 = tpu.memref_slice %arg7[%mul3A_42] : memref<10000xi32, #tpu.memory_space<vmem>> -> memref<80xi32, #tpu.memory_space<vmem>>
      %dma_wait3A_44 = arith.constant 0 : i32
      %dma_wait3A_45 = arith.constant 0 : i32
      %dma_wait3A_46 = tpu.memref_slice %arg2[%dma_wait3A_44, %dma_wait3A_45] : memref<10000x128xf32, #tpu.memory_space<hbm>> -> memref<10000x128xf32, #tpu.memory_space<hbm>>
      tpu.wait_indirect_dma semaphore(%arg12 : memref<!tpu.dma_semaphore, #tpu.memory_space<semaphore_mem>>) src(%dma_wait3A_46 : memref<10000x128xf32, #tpu.memory_space<hbm>>) dst(%arg9 : memref<80x128xf32, #tpu.memory_space<vmem>>)
      "tpu.region"() ({
        %run_scoped3A_66 = tpu.sem_alloc : memref<!tpu.dma_semaphore, #tpu.memory_space<semaphore_mem>>
        %dma_start3A_67 = arith.constant 0 : i32
        %dma_start3A_68 = tpu.memref_slice %arg8[%mul3A_32, %dma_start3A_67] : memref<125x80xi32, #tpu.memory_space<vmem>> -> memref<1x80xi32, #tpu.memory_space<vmem>>
        %dma_start3A_69 = tpu.memref_squeeze %dma_start3A_68 : memref<1x80xi32, #tpu.memory_space<vmem>> -> memref<80xi32, #tpu.memory_space<vmem>>
        %dma_start3A_70 = arith.constant 0 : i32
        %dma_start3A_71 = arith.constant 0 : i32
        %dma_start3A_72 = tpu.memref_slice %arg11[%dma_start3A_70, %dma_start3A_71] : memref<10000x128xf32, #tpu.memory_space<vmem_shared>> -> memref<10000x128xf32, #tpu.memory_space<vmem_shared>>
        tpu.enqueue_indirect_dma source(%arg9 : memref<80x128xf32, #tpu.memory_space<vmem>>) target(%dma_start3A_72 : memref<10000x128xf32, #tpu.memory_space<vmem_shared>>) offsets(%dma_start3A_69 : memref<80xi32, #tpu.memory_space<vmem>>) semaphore(%run_scoped3A_66 : memref<!tpu.dma_semaphore, #tpu.memory_space<semaphore_mem>>) {add = true}
        %dma_wait3A_73 = arith.constant 0 : i32
        %dma_wait3A_74 = tpu.memref_slice %arg8[%mul3A_32, %dma_wait3A_73] : memref<125x80xi32, #tpu.memory_space<vmem>> -> memref<1x80xi32, #tpu.memory_space<vmem>>
        %dma_wait3A_75 = tpu.memref_squeeze %dma_wait3A_74 : memref<1x80xi32, #tpu.memory_space<vmem>> -> memref<80xi32, #tpu.memory_space<vmem>>
        %dma_wait3A_76 = arith.constant 0 : i32
        %dma_wait3A_77 = arith.constant 0 : i32
        %dma_wait3A_78 = tpu.memref_slice %arg11[%dma_wait3A_76, %dma_wait3A_77] : memref<10000x128xf32, #tpu.memory_space<vmem_shared>> -> memref<10000x128xf32, #tpu.memory_space<vmem_shared>>
        tpu.wait_indirect_dma semaphore(%run_scoped3A_66 : memref<!tpu.dma_semaphore, #tpu.memory_space<semaphore_mem>>) src(%arg9 : memref<80x128xf32, #tpu.memory_space<vmem>>) dst(%dma_wait3A_78 : memref<10000x128xf32, #tpu.memory_space<vmem_shared>>)
        tpu.yield
      }) : () -> ()
      %add3A_47 = arith.constant 2 : i32
      %add3A_48 = arith.addi %mul3A_32, %add3A_47 : i32
      %mul3A_49 = arith.constant 80 : i32
      %mul3A_50 = arith.muli %add3A_48, %mul3A_49 : i32
      %dma_start3A_51 = tpu.memref_slice %arg7[%mul3A_50] : memref<10000xi32, #tpu.memory_space<vmem>> -> memref<80xi32, #tpu.memory_space<vmem>>
      %dma_start3A_52 = arith.constant 0 : i32
      %dma_start3A_53 = arith.constant 0 : i32
      %dma_start3A_54 = tpu.memref_slice %arg2[%dma_start3A_52, %dma_start3A_53] : memref<10000x128xf32, #tpu.memory_space<hbm>> -> memref<10000x128xf32, #tpu.memory_space<hbm>>
      tpu.enqueue_indirect_dma source(%dma_start3A_54 : memref<10000x128xf32, #tpu.memory_space<hbm>>) target(%arg9 : memref<80x128xf32, #tpu.memory_space<vmem>>) offsets(%dma_start3A_51 : memref<80xi32, #tpu.memory_space<vmem>>) semaphore(%arg12 : memref<!tpu.dma_semaphore, #tpu.memory_space<semaphore_mem>>)
      %add3A_55 = arith.constant 1 : i32
      %add3A_56 = arith.addi %mul3A_32, %add3A_55 : i32
      %mul3A_57 = arith.constant 80 : i32
      %mul3A_58 = arith.muli %add3A_56, %mul3A_57 : i32
      %dma_wait3A_59 = tpu.memref_slice %arg7[%mul3A_58] : memref<10000xi32, #tpu.memory_space<vmem>> -> memref<80xi32, #tpu.memory_space<vmem>>
      %dma_wait3A_60 = arith.constant 0 : i32
      %dma_wait3A_61 = arith.constant 0 : i32
      %dma_wait3A_62 = tpu.memref_slice %arg2[%dma_wait3A_60, %dma_wait3A_61] : memref<10000x128xf32, #tpu.memory_space<hbm>> -> memref<10000x128xf32, #tpu.memory_space<hbm>>
      tpu.wait_indirect_dma semaphore(%arg13 : memref<!tpu.dma_semaphore, #tpu.memory_space<semaphore_mem>>) src(%dma_wait3A_62 : memref<10000x128xf32, #tpu.memory_space<hbm>>) dst(%arg10 : memref<80x128xf32, #tpu.memory_space<vmem>>)
      %add3A_63 = arith.constant 1 : i32
      %add3A_64 = arith.addi %mul3A_32, %add3A_63 : i32
      "tpu.region"() ({
        %run_scoped3A_66 = tpu.sem_alloc : memref<!tpu.dma_semaphore, #tpu.memory_space<semaphore_mem>>
        %dma_start3A_67 = arith.constant 0 : i32
        %dma_start3A_68 = tpu.memref_slice %arg8[%add3A_64, %dma_start3A_67] : memref<125x80xi32, #tpu.memory_space<vmem>> -> memref<1x80xi32, #tpu.memory_space<vmem>>
        %dma_start3A_69 = tpu.memref_squeeze %dma_start3A_68 : memref<1x80xi32, #tpu.memory_space<vmem>> -> memref<80xi32, #tpu.memory_space<vmem>>
        %dma_start3A_70 = arith.constant 0 : i32
        %dma_start3A_71 = arith.constant 0 : i32
        %dma_start3A_72 = tpu.memref_slice %arg11[%dma_start3A_70, %dma_start3A_71] : memref<10000x128xf32, #tpu.memory_space<vmem_shared>> -> memref<10000x128xf32, #tpu.memory_space<vmem_shared>>
        tpu.enqueue_indirect_dma source(%arg10 : memref<80x128xf32, #tpu.memory_space<vmem>>) target(%dma_start3A_72 : memref<10000x128xf32, #tpu.memory_space<vmem_shared>>) offsets(%dma_start3A_69 : memref<80xi32, #tpu.memory_space<vmem>>) semaphore(%run_scoped3A_66 : memref<!tpu.dma_semaphore, #tpu.memory_space<semaphore_mem>>) {add = true}
        %dma_wait3A_73 = arith.constant 0 : i32
        %dma_wait3A_74 = tpu.memref_slice %arg8[%add3A_64, %dma_wait3A_73] : memref<125x80xi32, #tpu.memory_space<vmem>> -> memref<1x80xi32, #tpu.memory_space<vmem>>
        %dma_wait3A_75 = tpu.memref_squeeze %dma_wait3A_74 : memref<1x80xi32, #tpu.memory_space<vmem>> -> memref<80xi32, #tpu.memory_space<vmem>>
        %dma_wait3A_76 = arith.constant 0 : i32
        %dma_wait3A_77 = arith.constant 0 : i32
        %dma_wait3A_78 = tpu.memref_slice %arg11[%dma_wait3A_76, %dma_wait3A_77] : memref<10000x128xf32, #tpu.memory_space<vmem_shared>> -> memref<10000x128xf32, #tpu.memory_space<vmem_shared>>
        tpu.wait_indirect_dma semaphore(%run_scoped3A_66 : memref<!tpu.dma_semaphore, #tpu.memory_space<semaphore_mem>>) src(%arg10 : memref<80x128xf32, #tpu.memory_space<vmem>>) dst(%dma_wait3A_78 : memref<10000x128xf32, #tpu.memory_space<vmem_shared>>)
        tpu.yield
      }) : () -> ()
      %scan3A_65 = arith.constant 0 : i32
      scf.yield %scan3A_65 : i32
    }
    %scan3A_14 = arith.constant 62 : i32
    %dma_wait3A = arith.constant 9920 : i32
    %dma_wait3A_15 = tpu.memref_slice %arg7[%dma_wait3A] : memref<10000xi32, #tpu.memory_space<vmem>> -> memref<80xi32, #tpu.memory_space<vmem>>
    %dma_wait3A_16 = arith.constant 0 : i32
    %dma_wait3A_17 = arith.constant 0 : i32
    %dma_wait3A_18 = tpu.memref_slice %arg2[%dma_wait3A_16, %dma_wait3A_17] : memref<10000x128xf32, #tpu.memory_space<hbm>> -> memref<10000x128xf32, #tpu.memory_space<hbm>>
    tpu.wait_indirect_dma semaphore(%arg12 : memref<!tpu.dma_semaphore, #tpu.memory_space<semaphore_mem>>) src(%dma_wait3A_18 : memref<10000x128xf32, #tpu.memory_space<hbm>>) dst(%arg9 : memref<80x128xf32, #tpu.memory_space<vmem>>)
    %run_scoped3A = arith.constant 124 : i32
    "tpu.region"() ({
      %run_scoped3A_29 = tpu.sem_alloc : memref<!tpu.dma_semaphore, #tpu.memory_space<semaphore_mem>>
      %dma_start3A_30 = arith.constant 0 : i32
      %dma_start3A_31 = tpu.memref_slice %arg8[%run_scoped3A, %dma_start3A_30] : memref<125x80xi32, #tpu.memory_space<vmem>> -> memref<1x80xi32, #tpu.memory_space<vmem>>
      %dma_start3A_32 = tpu.memref_squeeze %dma_start3A_31 : memref<1x80xi32, #tpu.memory_space<vmem>> -> memref<80xi32, #tpu.memory_space<vmem>>
      %dma_start3A_33 = arith.constant 0 : i32
      %dma_start3A_34 = arith.constant 0 : i32
      %dma_start3A_35 = tpu.memref_slice %arg11[%dma_start3A_33, %dma_start3A_34] : memref<10000x128xf32, #tpu.memory_space<vmem_shared>> -> memref<10000x128xf32, #tpu.memory_space<vmem_shared>>
      tpu.enqueue_indirect_dma source(%arg9 : memref<80x128xf32, #tpu.memory_space<vmem>>) target(%dma_start3A_35 : memref<10000x128xf32, #tpu.memory_space<vmem_shared>>) offsets(%dma_start3A_32 : memref<80xi32, #tpu.memory_space<vmem>>) semaphore(%run_scoped3A_29 : memref<!tpu.dma_semaphore, #tpu.memory_space<semaphore_mem>>) {add = true}
      %dma_wait3A_36 = arith.constant 0 : i32
      %dma_wait3A_37 = tpu.memref_slice %arg8[%run_scoped3A, %dma_wait3A_36] : memref<125x80xi32, #tpu.memory_space<vmem>> -> memref<1x80xi32, #tpu.memory_space<vmem>>
      %dma_wait3A_38 = tpu.memref_squeeze %dma_wait3A_37 : memref<1x80xi32, #tpu.memory_space<vmem>> -> memref<80xi32, #tpu.memory_space<vmem>>
      %dma_wait3A_39 = arith.constant 0 : i32
      %dma_wait3A_40 = arith.constant 0 : i32
      %dma_wait3A_41 = tpu.memref_slice %arg11[%dma_wait3A_39, %dma_wait3A_40] : memref<10000x128xf32, #tpu.memory_space<vmem_shared>> -> memref<10000x128xf32, #tpu.memory_space<vmem_shared>>
      tpu.wait_indirect_dma semaphore(%run_scoped3A_29 : memref<!tpu.dma_semaphore, #tpu.memory_space<semaphore_mem>>) src(%arg9 : memref<80x128xf32, #tpu.memory_space<vmem>>) dst(%dma_wait3A_41 : memref<10000x128xf32, #tpu.memory_space<vmem_shared>>)
      tpu.yield
    }) : () -> ()
    %barrier3A_19 = arith.constant 0 : index
    tpu.barrier barrier_id(%barrier3A_19)
    %mul3A_20 = arith.constant 624 : i32
    %mul3A_21 = arith.muli %arg1, %mul3A_20 : i32
    %mul3A_22 = arith.constant 624 : i32
    %mul3A_23 = arith.muli %arg1, %mul3A_22 : i32
    "tpu.region"() ({
      %run_scoped3A_29 = tpu.sem_alloc : memref<!tpu.dma_semaphore, #tpu.memory_space<semaphore_mem>>
      %dma_start3A_30 = arith.constant 0 : i32
      %dma_start3A_31 = tpu.memref_slice %arg6[%arg0, %mul3A_23, %dma_start3A_30] : memref<2x10000x128xf32, #tpu.memory_space<hbm>> -> memref<1x624x128xf32, #tpu.memory_space<hbm>>
      %dma_start3A_32 = tpu.memref_squeeze %dma_start3A_31 : memref<1x624x128xf32, #tpu.memory_space<hbm>> -> memref<624x128xf32, #tpu.memory_space<hbm>>
      %dma_start3A_33 = arith.constant 0 : i32
      %dma_start3A_34 = tpu.memref_slice %arg11[%mul3A_21, %dma_start3A_33] : memref<10000x128xf32, #tpu.memory_space<vmem_shared>> -> memref<624x128xf32, #tpu.memory_space<vmem_shared>>
      tpu.enqueue_dma source(%dma_start3A_34 : memref<624x128xf32, #tpu.memory_space<vmem_shared>>) target(%dma_start3A_32 : memref<624x128xf32, #tpu.memory_space<hbm>>) target_semaphore(%run_scoped3A_29 : memref<!tpu.dma_semaphore, #tpu.memory_space<semaphore_mem>>)
      %dma_wait3A_35 = arith.constant 0 : i32
      %dma_wait3A_36 = tpu.memref_slice %arg6[%arg0, %mul3A_23, %dma_wait3A_35] : memref<2x10000x128xf32, #tpu.memory_space<hbm>> -> memref<1x624x128xf32, #tpu.memory_space<hbm>>
      %dma_wait3A_37 = tpu.memref_squeeze %dma_wait3A_36 : memref<1x624x128xf32, #tpu.memory_space<hbm>> -> memref<624x128xf32, #tpu.memory_space<hbm>>
      %dma_wait3A_38 = arith.constant 0 : i32
      %dma_wait3A_39 = tpu.memref_slice %arg11[%mul3A_21, %dma_wait3A_38] : memref<10000x128xf32, #tpu.memory_space<vmem_shared>> -> memref<624x128xf32, #tpu.memory_space<vmem_shared>>
      tpu.wait_dma2 semaphore(%run_scoped3A_29 : memref<!tpu.dma_semaphore, #tpu.memory_space<semaphore_mem>>) src(%dma_wait3A_39 : memref<624x128xf32, #tpu.memory_space<vmem_shared>>) dst(%dma_wait3A_37 : memref<624x128xf32, #tpu.memory_space<hbm>>)
      tpu.yield
    }) : () -> ()
    %eq3A_24 = arith.constant 15 : i32
    %eq3A_25 = arith.cmpi eq, %arg1, %eq3A_24 : i32
    %convert_element_type3A_26 = arith.extui %eq3A_25 : i1 to i32
    %cond3A_27 = arith.constant 0 : i32
    %cond3A_28 = arith.cmpi ne, %convert_element_type3A_26, %cond3A_27 : i32
    scf.if %cond3A_28 {
      "tpu.region"() ({
        %run_scoped3A_29 = tpu.sem_alloc : memref<!tpu.dma_semaphore, #tpu.memory_space<semaphore_mem>>
        %dma_start3A_30 = arith.constant 9984 : i32
        %dma_start3A_31 = arith.constant 0 : i32
        %dma_start3A_32 = tpu.memref_slice %arg6[%arg0, %dma_start3A_30, %dma_start3A_31] : memref<2x10000x128xf32, #tpu.memory_space<hbm>> -> memref<1x16x128xf32, #tpu.memory_space<hbm>>
        %dma_start3A_33 = tpu.memref_squeeze %dma_start3A_32 : memref<1x16x128xf32, #tpu.memory_space<hbm>> -> memref<16x128xf32, #tpu.memory_space<hbm>>
        %dma_start3A_34 = arith.constant 9984 : i32
        %dma_start3A_35 = arith.constant 0 : i32
        %dma_start3A_36 = tpu.memref_slice %arg11[%dma_start3A_34, %dma_start3A_35] : memref<10000x128xf32, #tpu.memory_space<vmem_shared>> -> memref<16x128xf32, #tpu.memory_space<vmem_shared>>
        tpu.enqueue_dma source(%dma_start3A_36 : memref<16x128xf32, #tpu.memory_space<vmem_shared>>) target(%dma_start3A_33 : memref<16x128xf32, #tpu.memory_space<hbm>>) target_semaphore(%run_scoped3A_29 : memref<!tpu.dma_semaphore, #tpu.memory_space<semaphore_mem>>)
        %dma_wait3A_37 = arith.constant 9984 : i32
        %dma_wait3A_38 = arith.constant 0 : i32
        %dma_wait3A_39 = tpu.memref_slice %arg6[%arg0, %dma_wait3A_37, %dma_wait3A_38] : memref<2x10000x128xf32, #tpu.memory_space<hbm>> -> memref<1x16x128xf32, #tpu.memory_space<hbm>>
        %dma_wait3A_40 = tpu.memref_squeeze %dma_wait3A_39 : memref<1x16x128xf32, #tpu.memory_space<hbm>> -> memref<16x128xf32, #tpu.memory_space<hbm>>
        %dma_wait3A_41 = arith.constant 9984 : i32
        %dma_wait3A_42 = arith.constant 0 : i32
        %dma_wait3A_43 = tpu.memref_slice %arg11[%dma_wait3A_41, %dma_wait3A_42] : memref<10000x128xf32, #tpu.memory_space<vmem_shared>> -> memref<16x128xf32, #tpu.memory_space<vmem_shared>>
        tpu.wait_dma2 semaphore(%run_scoped3A_29 : memref<!tpu.dma_semaphore, #tpu.memory_space<semaphore_mem>>) src(%dma_wait3A_43 : memref<16x128xf32, #tpu.memory_space<vmem_shared>>) dst(%dma_wait3A_40 : memref<16x128xf32, #tpu.memory_space<hbm>>)
        tpu.yield
      }) : () -> ()
    } else {
    }
    return
  }
}

#map = affine_map<(d0, d1) -> (0, 0)>
#map1 = affine_map<(d0, d1) -> (0, 0, 0)>
module attributes {stable_mosaic.version = 14 : i64} {
  func.func @sc_agg(%arg0: i32, %arg1: i32, %arg2: memref<10000x128xf32, #tpu.memory_space<hbm>>, %arg3: memref<32x10000xi32, #tpu.memory_space<hbm>>, %arg4: memref<32x125x80xi32, #tpu.memory_space<hbm>>, %arg5: memref<624x128xf32, #tpu.memory_space<hbm>>, %arg6: memref<2x10000x128xf32, #tpu.memory_space<hbm>>, %arg7: memref<10000xi32, #tpu.memory_space<vmem>>, %arg8: memref<125x80xi32, #tpu.memory_space<vmem>>, %arg9: memref<80x128xf32, #tpu.memory_space<vmem>>, %arg10: memref<80x128xf32, #tpu.memory_space<vmem>>, %arg11: memref<10000x128xf32, #tpu.memory_space<vmem_shared>>, %arg12: memref<!tpu.dma_semaphore, #tpu.memory_space<semaphore_mem>>, %arg13: memref<!tpu.dma_semaphore, #tpu.memory_space<semaphore_mem>>) attributes {dimension_semantics = [#tpu.dimension_semantics<core_parallel>, #tpu.dimension_semantics<subcore_parallel>], iteration_bounds = array<i64: 2, 16>, scalar_prefetch = 0 : i64, scratch_operands = 7 : i64, tpu.core_type = #tpu.core_type<sc_vector_subcore>, window_params = [{transform_indices = #map}, {transform_indices = #map}, {transform_indices = #map1}, {transform_indices = #map}, {transform_indices = #map1}]} {
    %mul3A = arith.constant 16 : i32
    %mul3A_0 = arith.muli %arg0, %mul3A : i32
    %add3A = arith.addi %mul3A_0, %arg1 : i32
    "tpu.region"() ({
      %run_scoped3A_29 = tpu.sem_alloc : memref<!tpu.dma_semaphore, #tpu.memory_space<semaphore_mem>>
      %dma_start3A_30 = arith.constant 0 : i32
      %dma_start3A_31 = tpu.memref_slice %arg3[%add3A, %dma_start3A_30] : memref<32x10000xi32, #tpu.memory_space<hbm>> -> memref<1x10000xi32, #tpu.memory_space<hbm>>
      %dma_start3A_32 = tpu.memref_squeeze %dma_start3A_31 : memref<1x10000xi32, #tpu.memory_space<hbm>> -> memref<10000xi32, #tpu.memory_space<hbm>>
      %dma_start3A_33 = arith.constant 0 : i32
      %dma_start3A_34 = tpu.memref_slice %arg3[%add3A, %dma_start3A_33] : memref<32x10000xi32, #tpu.memory_space<hbm>> -> memref<1x10000xi32, #tpu.memory_space<hbm>>
      %dma_start3A_35 = tpu.memref_squeeze %dma_start3A_34 : memref<1x10000xi32, #tpu.memory_space<hbm>> -> memref<10000xi32, #tpu.memory_space<hbm>>
      tpu.enqueue_dma source(%dma_start3A_35 : memref<10000xi32, #tpu.memory_space<hbm>>) target(%arg7 : memref<10000xi32, #tpu.memory_space<vmem>>) target_semaphore(%run_scoped3A_29 : memref<!tpu.dma_semaphore, #tpu.memory_space<semaphore_mem>>)
      %dma_wait3A_36 = arith.constant 0 : i32
      %dma_wait3A_37 = tpu.memref_slice %arg3[%add3A, %dma_wait3A_36] : memref<32x10000xi32, #tpu.memory_space<hbm>> -> memref<1x10000xi32, #tpu.memory_space<hbm>>
      %dma_wait3A_38 = tpu.memref_squeeze %dma_wait3A_37 : memref<1x10000xi32, #tpu.memory_space<hbm>> -> memref<10000xi32, #tpu.memory_space<hbm>>
      %dma_wait3A_39 = arith.constant 0 : i32
      %dma_wait3A_40 = tpu.memref_slice %arg3[%add3A, %dma_wait3A_39] : memref<32x10000xi32, #tpu.memory_space<hbm>> -> memref<1x10000xi32, #tpu.memory_space<hbm>>
      %dma_wait3A_41 = tpu.memref_squeeze %dma_wait3A_40 : memref<1x10000xi32, #tpu.memory_space<hbm>> -> memref<10000xi32, #tpu.memory_space<hbm>>
      tpu.wait_dma2 semaphore(%run_scoped3A_29 : memref<!tpu.dma_semaphore, #tpu.memory_space<semaphore_mem>>) src(%dma_wait3A_41 : memref<10000xi32, #tpu.memory_space<hbm>>) dst(%arg7 : memref<10000xi32, #tpu.memory_space<vmem>>)
      tpu.yield
    }) : () -> ()
    "tpu.region"() ({
      %run_scoped3A_29 = tpu.sem_alloc : memref<!tpu.dma_semaphore, #tpu.memory_space<semaphore_mem>>
      %dma_start3A_30 = arith.constant 0 : i32
      %dma_start3A_31 = arith.constant 0 : i32
      %dma_start3A_32 = tpu.memref_slice %arg4[%add3A, %dma_start3A_30, %dma_start3A_31] : memref<32x125x80xi32, #tpu.memory_space<hbm>> -> memref<1x125x80xi32, #tpu.memory_space<hbm>>
      %dma_start3A_33 = tpu.memref_squeeze %dma_start3A_32 : memref<1x125x80xi32, #tpu.memory_space<hbm>> -> memref<125x80xi32, #tpu.memory_space<hbm>>
      %dma_start3A_34 = arith.constant 0 : i32
      %dma_start3A_35 = arith.constant 0 : i32
      %dma_start3A_36 = tpu.memref_slice %arg4[%add3A, %dma_start3A_34, %dma_start3A_35] : memref<32x125x80xi32, #tpu.memory_space<hbm>> -> memref<1x125x80xi32, #tpu.memory_space<hbm>>
      %dma_start3A_37 = tpu.memref_squeeze %dma_start3A_36 : memref<1x125x80xi32, #tpu.memory_space<hbm>> -> memref<125x80xi32, #tpu.memory_space<hbm>>
      tpu.enqueue_dma source(%dma_start3A_37 : memref<125x80xi32, #tpu.memory_space<hbm>>) target(%arg8 : memref<125x80xi32, #tpu.memory_space<vmem>>) target_semaphore(%run_scoped3A_29 : memref<!tpu.dma_semaphore, #tpu.memory_space<semaphore_mem>>)
      %dma_wait3A_38 = arith.constant 0 : i32
      %dma_wait3A_39 = arith.constant 0 : i32
      %dma_wait3A_40 = tpu.memref_slice %arg4[%add3A, %dma_wait3A_38, %dma_wait3A_39] : memref<32x125x80xi32, #tpu.memory_space<hbm>> -> memref<1x125x80xi32, #tpu.memory_space<hbm>>
      %dma_wait3A_41 = tpu.memref_squeeze %dma_wait3A_40 : memref<1x125x80xi32, #tpu.memory_space<hbm>> -> memref<125x80xi32, #tpu.memory_space<hbm>>
      %dma_wait3A_42 = arith.constant 0 : i32
      %dma_wait3A_43 = arith.constant 0 : i32
      %dma_wait3A_44 = tpu.memref_slice %arg4[%add3A, %dma_wait3A_42, %dma_wait3A_43] : memref<32x125x80xi32, #tpu.memory_space<hbm>> -> memref<1x125x80xi32, #tpu.memory_space<hbm>>
      %dma_wait3A_45 = tpu.memref_squeeze %dma_wait3A_44 : memref<1x125x80xi32, #tpu.memory_space<hbm>> -> memref<125x80xi32, #tpu.memory_space<hbm>>
      tpu.wait_dma2 semaphore(%run_scoped3A_29 : memref<!tpu.dma_semaphore, #tpu.memory_space<semaphore_mem>>) src(%dma_wait3A_45 : memref<125x80xi32, #tpu.memory_space<hbm>>) dst(%arg8 : memref<125x80xi32, #tpu.memory_space<vmem>>)
      tpu.yield
    }) : () -> ()
    %dma_start3A = arith.constant 0 : i32
    %dma_start3A_1 = tpu.memref_slice %arg7[%dma_start3A] : memref<10000xi32, #tpu.memory_space<vmem>> -> memref<80xi32, #tpu.memory_space<vmem>>
    %dma_start3A_2 = arith.constant 0 : i32
    %dma_start3A_3 = arith.constant 0 : i32
    %dma_start3A_4 = tpu.memref_slice %arg2[%dma_start3A_2, %dma_start3A_3] : memref<10000x128xf32, #tpu.memory_space<hbm>> -> memref<10000x128xf32, #tpu.memory_space<hbm>>
    tpu.enqueue_indirect_dma source(%dma_start3A_4 : memref<10000x128xf32, #tpu.memory_space<hbm>>) target(%arg9 : memref<80x128xf32, #tpu.memory_space<vmem>>) offsets(%dma_start3A_1 : memref<80xi32, #tpu.memory_space<vmem>>) semaphore(%arg12 : memref<!tpu.dma_semaphore, #tpu.memory_space<semaphore_mem>>)
    %mul3A_5 = arith.constant 624 : i32
    %mul3A_6 = arith.muli %arg1, %mul3A_5 : i32
    "tpu.region"() ({
      %run_scoped3A_29 = tpu.sem_alloc : memref<!tpu.dma_semaphore, #tpu.memory_space<semaphore_mem>>
      %dma_start3A_30 = arith.constant 0 : i32
      %dma_start3A_31 = tpu.memref_slice %arg11[%mul3A_6, %dma_start3A_30] : memref<10000x128xf32, #tpu.memory_space<vmem_shared>> -> memref<624x128xf32, #tpu.memory_space<vmem_shared>>
      %dma_start3A_32 = arith.constant 0 : i32
      %dma_start3A_33 = arith.constant 0 : i32
      %dma_start3A_34 = tpu.memref_slice %arg5[%dma_start3A_32, %dma_start3A_33] : memref<624x128xf32, #tpu.memory_space<hbm>> -> memref<624x128xf32, #tpu.memory_space<hbm>>
      tpu.enqueue_dma source(%dma_start3A_34 : memref<624x128xf32, #tpu.memory_space<hbm>>) target(%dma_start3A_31 : memref<624x128xf32, #tpu.memory_space<vmem_shared>>) target_semaphore(%run_scoped3A_29 : memref<!tpu.dma_semaphore, #tpu.memory_space<semaphore_mem>>)
      %dma_wait3A_35 = arith.constant 0 : i32
      %dma_wait3A_36 = tpu.memref_slice %arg11[%mul3A_6, %dma_wait3A_35] : memref<10000x128xf32, #tpu.memory_space<vmem_shared>> -> memref<624x128xf32, #tpu.memory_space<vmem_shared>>
      %dma_wait3A_37 = arith.constant 0 : i32
      %dma_wait3A_38 = arith.constant 0 : i32
      %dma_wait3A_39 = tpu.memref_slice %arg5[%dma_wait3A_37, %dma_wait3A_38] : memref<624x128xf32, #tpu.memory_space<hbm>> -> memref<624x128xf32, #tpu.memory_space<hbm>>
      tpu.wait_dma2 semaphore(%run_scoped3A_29 : memref<!tpu.dma_semaphore, #tpu.memory_space<semaphore_mem>>) src(%dma_wait3A_39 : memref<624x128xf32, #tpu.memory_space<hbm>>) dst(%dma_wait3A_36 : memref<624x128xf32, #tpu.memory_space<vmem_shared>>)
      tpu.yield
    }) : () -> ()
    %eq3A = arith.constant 15 : i32
    %eq3A_7 = arith.cmpi eq, %arg1, %eq3A : i32
    %convert_element_type3A = arith.extui %eq3A_7 : i1 to i32
    %cond3A = arith.constant 0 : i32
    %cond3A_8 = arith.cmpi ne, %convert_element_type3A, %cond3A : i32
    scf.if %cond3A_8 {
      "tpu.region"() ({
        %run_scoped3A_29 = tpu.sem_alloc : memref<!tpu.dma_semaphore, #tpu.memory_space<semaphore_mem>>
        %dma_start3A_30 = arith.constant 9984 : i32
        %dma_start3A_31 = arith.constant 0 : i32
        %dma_start3A_32 = tpu.memref_slice %arg11[%dma_start3A_30, %dma_start3A_31] : memref<10000x128xf32, #tpu.memory_space<vmem_shared>> -> memref<16x128xf32, #tpu.memory_space<vmem_shared>>
        %dma_start3A_33 = arith.constant 0 : i32
        %dma_start3A_34 = arith.constant 0 : i32
        %dma_start3A_35 = tpu.memref_slice %arg5[%dma_start3A_33, %dma_start3A_34] : memref<624x128xf32, #tpu.memory_space<hbm>> -> memref<16x128xf32, #tpu.memory_space<hbm>>
        tpu.enqueue_dma source(%dma_start3A_35 : memref<16x128xf32, #tpu.memory_space<hbm>>) target(%dma_start3A_32 : memref<16x128xf32, #tpu.memory_space<vmem_shared>>) target_semaphore(%run_scoped3A_29 : memref<!tpu.dma_semaphore, #tpu.memory_space<semaphore_mem>>)
        %dma_wait3A_36 = arith.constant 9984 : i32
        %dma_wait3A_37 = arith.constant 0 : i32
        %dma_wait3A_38 = tpu.memref_slice %arg11[%dma_wait3A_36, %dma_wait3A_37] : memref<10000x128xf32, #tpu.memory_space<vmem_shared>> -> memref<16x128xf32, #tpu.memory_space<vmem_shared>>
        %dma_wait3A_39 = arith.constant 0 : i32
        %dma_wait3A_40 = arith.constant 0 : i32
        %dma_wait3A_41 = tpu.memref_slice %arg5[%dma_wait3A_39, %dma_wait3A_40] : memref<624x128xf32, #tpu.memory_space<hbm>> -> memref<16x128xf32, #tpu.memory_space<hbm>>
        tpu.wait_dma2 semaphore(%run_scoped3A_29 : memref<!tpu.dma_semaphore, #tpu.memory_space<semaphore_mem>>) src(%dma_wait3A_41 : memref<16x128xf32, #tpu.memory_space<hbm>>) dst(%dma_wait3A_38 : memref<16x128xf32, #tpu.memory_space<vmem_shared>>)
        tpu.yield
      }) : () -> ()
    } else {
    }
    %barrier3A = arith.constant 0 : index
    tpu.barrier barrier_id(%barrier3A)
    %scan3A = arith.constant 0 : i32
    %scan3A_9 = arith.constant 0 : i32
    %scan3A_10 = arith.constant 62 : i32
    %scan3A_11 = arith.addi %scan3A_9, %scan3A_10 : i32
    %scan3A_12 = arith.constant 1 : i32
    %scan3A_13 = scf.for %scan3A_29 = %scan3A_9 to %scan3A_11 step %scan3A_12 iter_args(%scan3A_30 = %scan3A) -> (i32)  : i32 {
      %mul3A_31 = arith.constant 2 : i32
      %mul3A_32 = arith.muli %mul3A_31, %scan3A_29 : i32
      %add3A_33 = arith.constant 1 : i32
      %add3A_34 = arith.addi %mul3A_32, %add3A_33 : i32
      %mul3A_35 = arith.constant 80 : i32
      %mul3A_36 = arith.muli %add3A_34, %mul3A_35 : i32
      %dma_start3A_37 = tpu.memref_slice %arg7[%mul3A_36] : memref<10000xi32, #tpu.memory_space<vmem>> -> memref<80xi32, #tpu.memory_space<vmem>>
      %dma_start3A_38 = arith.constant 0 : i32
      %dma_start3A_39 = arith.constant 0 : i32
      %dma_start3A_40 = tpu.memref_slice %arg2[%dma_start3A_38, %dma_start3A_39] : memref<10000x128xf32, #tpu.memory_space<hbm>> -> memref<10000x128xf32, #tpu.memory_space<hbm>>
      tpu.enqueue_indirect_dma source(%dma_start3A_40 : memref<10000x128xf32, #tpu.memory_space<hbm>>) target(%arg10 : memref<80x128xf32, #tpu.memory_space<vmem>>) offsets(%dma_start3A_37 : memref<80xi32, #tpu.memory_space<vmem>>) semaphore(%arg13 : memref<!tpu.dma_semaphore, #tpu.memory_space<semaphore_mem>>)
      %mul3A_41 = arith.constant 80 : i32
      %mul3A_42 = arith.muli %mul3A_32, %mul3A_41 : i32
      %dma_wait3A_43 = tpu.memref_slice %arg7[%mul3A_42] : memref<10000xi32, #tpu.memory_space<vmem>> -> memref<80xi32, #tpu.memory_space<vmem>>
      %dma_wait3A_44 = arith.constant 0 : i32
      %dma_wait3A_45 = arith.constant 0 : i32
      %dma_wait3A_46 = tpu.memref_slice %arg2[%dma_wait3A_44, %dma_wait3A_45] : memref<10000x128xf32, #tpu.memory_space<hbm>> -> memref<10000x128xf32, #tpu.memory_space<hbm>>
      tpu.wait_indirect_dma semaphore(%arg12 : memref<!tpu.dma_semaphore, #tpu.memory_space<semaphore_mem>>) src(%dma_wait3A_46 : memref<10000x128xf32, #tpu.memory_space<hbm>>) dst(%arg9 : memref<80x128xf32, #tpu.memory_space<vmem>>)
      "tpu.region"() ({
        %run_scoped3A_66 = tpu.sem_alloc : memref<!tpu.dma_semaphore, #tpu.memory_space<semaphore_mem>>
        %dma_start3A_67 = arith.constant 0 : i32
        %dma_start3A_68 = tpu.memref_slice %arg8[%mul3A_32, %dma_start3A_67] : memref<125x80xi32, #tpu.memory_space<vmem>> -> memref<1x80xi32, #tpu.memory_space<vmem>>
        %dma_start3A_69 = tpu.memref_squeeze %dma_start3A_68 : memref<1x80xi32, #tpu.memory_space<vmem>> -> memref<80xi32, #tpu.memory_space<vmem>>
        %dma_start3A_70 = arith.constant 0 : i32
        %dma_start3A_71 = arith.constant 0 : i32
        %dma_start3A_72 = tpu.memref_slice %arg11[%dma_start3A_70, %dma_start3A_71] : memref<10000x128xf32, #tpu.memory_space<vmem_shared>> -> memref<10000x128xf32, #tpu.memory_space<vmem_shared>>
        tpu.enqueue_indirect_dma source(%arg9 : memref<80x128xf32, #tpu.memory_space<vmem>>) target(%dma_start3A_72 : memref<10000x128xf32, #tpu.memory_space<vmem_shared>>) offsets(%dma_start3A_69 : memref<80xi32, #tpu.memory_space<vmem>>) semaphore(%run_scoped3A_66 : memref<!tpu.dma_semaphore, #tpu.memory_space<semaphore_mem>>) {add = true}
        %dma_wait3A_73 = arith.constant 0 : i32
        %dma_wait3A_74 = tpu.memref_slice %arg8[%mul3A_32, %dma_wait3A_73] : memref<125x80xi32, #tpu.memory_space<vmem>> -> memref<1x80xi32, #tpu.memory_space<vmem>>
        %dma_wait3A_75 = tpu.memref_squeeze %dma_wait3A_74 : memref<1x80xi32, #tpu.memory_space<vmem>> -> memref<80xi32, #tpu.memory_space<vmem>>
        %dma_wait3A_76 = arith.constant 0 : i32
        %dma_wait3A_77 = arith.constant 0 : i32
        %dma_wait3A_78 = tpu.memref_slice %arg11[%dma_wait3A_76, %dma_wait3A_77] : memref<10000x128xf32, #tpu.memory_space<vmem_shared>> -> memref<10000x128xf32, #tpu.memory_space<vmem_shared>>
        tpu.wait_indirect_dma semaphore(%run_scoped3A_66 : memref<!tpu.dma_semaphore, #tpu.memory_space<semaphore_mem>>) src(%arg9 : memref<80x128xf32, #tpu.memory_space<vmem>>) dst(%dma_wait3A_78 : memref<10000x128xf32, #tpu.memory_space<vmem_shared>>)
        tpu.yield
      }) : () -> ()
      %add3A_47 = arith.constant 2 : i32
      %add3A_48 = arith.addi %mul3A_32, %add3A_47 : i32
      %mul3A_49 = arith.constant 80 : i32
      %mul3A_50 = arith.muli %add3A_48, %mul3A_49 : i32
      %dma_start3A_51 = tpu.memref_slice %arg7[%mul3A_50] : memref<10000xi32, #tpu.memory_space<vmem>> -> memref<80xi32, #tpu.memory_space<vmem>>
      %dma_start3A_52 = arith.constant 0 : i32
      %dma_start3A_53 = arith.constant 0 : i32
      %dma_start3A_54 = tpu.memref_slice %arg2[%dma_start3A_52, %dma_start3A_53] : memref<10000x128xf32, #tpu.memory_space<hbm>> -> memref<10000x128xf32, #tpu.memory_space<hbm>>
      tpu.enqueue_indirect_dma source(%dma_start3A_54 : memref<10000x128xf32, #tpu.memory_space<hbm>>) target(%arg9 : memref<80x128xf32, #tpu.memory_space<vmem>>) offsets(%dma_start3A_51 : memref<80xi32, #tpu.memory_space<vmem>>) semaphore(%arg12 : memref<!tpu.dma_semaphore, #tpu.memory_space<semaphore_mem>>)
      %add3A_55 = arith.constant 1 : i32
      %add3A_56 = arith.addi %mul3A_32, %add3A_55 : i32
      %mul3A_57 = arith.constant 80 : i32
      %mul3A_58 = arith.muli %add3A_56, %mul3A_57 : i32
      %dma_wait3A_59 = tpu.memref_slice %arg7[%mul3A_58] : memref<10000xi32, #tpu.memory_space<vmem>> -> memref<80xi32, #tpu.memory_space<vmem>>
      %dma_wait3A_60 = arith.constant 0 : i32
      %dma_wait3A_61 = arith.constant 0 : i32
      %dma_wait3A_62 = tpu.memref_slice %arg2[%dma_wait3A_60, %dma_wait3A_61] : memref<10000x128xf32, #tpu.memory_space<hbm>> -> memref<10000x128xf32, #tpu.memory_space<hbm>>
      tpu.wait_indirect_dma semaphore(%arg13 : memref<!tpu.dma_semaphore, #tpu.memory_space<semaphore_mem>>) src(%dma_wait3A_62 : memref<10000x128xf32, #tpu.memory_space<hbm>>) dst(%arg10 : memref<80x128xf32, #tpu.memory_space<vmem>>)
      %add3A_63 = arith.constant 1 : i32
      %add3A_64 = arith.addi %mul3A_32, %add3A_63 : i32
      "tpu.region"() ({
        %run_scoped3A_66 = tpu.sem_alloc : memref<!tpu.dma_semaphore, #tpu.memory_space<semaphore_mem>>
        %dma_start3A_67 = arith.constant 0 : i32
        %dma_start3A_68 = tpu.memref_slice %arg8[%add3A_64, %dma_start3A_67] : memref<125x80xi32, #tpu.memory_space<vmem>> -> memref<1x80xi32, #tpu.memory_space<vmem>>
        %dma_start3A_69 = tpu.memref_squeeze %dma_start3A_68 : memref<1x80xi32, #tpu.memory_space<vmem>> -> memref<80xi32, #tpu.memory_space<vmem>>
        %dma_start3A_70 = arith.constant 0 : i32
        %dma_start3A_71 = arith.constant 0 : i32
        %dma_start3A_72 = tpu.memref_slice %arg11[%dma_start3A_70, %dma_start3A_71] : memref<10000x128xf32, #tpu.memory_space<vmem_shared>> -> memref<10000x128xf32, #tpu.memory_space<vmem_shared>>
        tpu.enqueue_indirect_dma source(%arg10 : memref<80x128xf32, #tpu.memory_space<vmem>>) target(%dma_start3A_72 : memref<10000x128xf32, #tpu.memory_space<vmem_shared>>) offsets(%dma_start3A_69 : memref<80xi32, #tpu.memory_space<vmem>>) semaphore(%run_scoped3A_66 : memref<!tpu.dma_semaphore, #tpu.memory_space<semaphore_mem>>) {add = true}
        %dma_wait3A_73 = arith.constant 0 : i32
        %dma_wait3A_74 = tpu.memref_slice %arg8[%add3A_64, %dma_wait3A_73] : memref<125x80xi32, #tpu.memory_space<vmem>> -> memref<1x80xi32, #tpu.memory_space<vmem>>
        %dma_wait3A_75 = tpu.memref_squeeze %dma_wait3A_74 : memref<1x80xi32, #tpu.memory_space<vmem>> -> memref<80xi32, #tpu.memory_space<vmem>>
        %dma_wait3A_76 = arith.constant 0 : i32
        %dma_wait3A_77 = arith.constant 0 : i32
        %dma_wait3A_78 = tpu.memref_slice %arg11[%dma_wait3A_76, %dma_wait3A_77] : memref<10000x128xf32, #tpu.memory_space<vmem_shared>> -> memref<10000x128xf32, #tpu.memory_space<vmem_shared>>
        tpu.wait_indirect_dma semaphore(%run_scoped3A_66 : memref<!tpu.dma_semaphore, #tpu.memory_space<semaphore_mem>>) src(%arg10 : memref<80x128xf32, #tpu.memory_space<vmem>>) dst(%dma_wait3A_78 : memref<10000x128xf32, #tpu.memory_space<vmem_shared>>)
        tpu.yield
      }) : () -> ()
      %scan3A_65 = arith.constant 0 : i32
      scf.yield %scan3A_65 : i32
    }
    %scan3A_14 = arith.constant 62 : i32
    %dma_wait3A = arith.constant 9920 : i32
    %dma_wait3A_15 = tpu.memref_slice %arg7[%dma_wait3A] : memref<10000xi32, #tpu.memory_space<vmem>> -> memref<80xi32, #tpu.memory_space<vmem>>
    %dma_wait3A_16 = arith.constant 0 : i32
    %dma_wait3A_17 = arith.constant 0 : i32
    %dma_wait3A_18 = tpu.memref_slice %arg2[%dma_wait3A_16, %dma_wait3A_17] : memref<10000x128xf32, #tpu.memory_space<hbm>> -> memref<10000x128xf32, #tpu.memory_space<hbm>>
    tpu.wait_indirect_dma semaphore(%arg12 : memref<!tpu.dma_semaphore, #tpu.memory_space<semaphore_mem>>) src(%dma_wait3A_18 : memref<10000x128xf32, #tpu.memory_space<hbm>>) dst(%arg9 : memref<80x128xf32, #tpu.memory_space<vmem>>)
    %run_scoped3A = arith.constant 124 : i32
    "tpu.region"() ({
      %run_scoped3A_29 = tpu.sem_alloc : memref<!tpu.dma_semaphore, #tpu.memory_space<semaphore_mem>>
      %dma_start3A_30 = arith.constant 0 : i32
      %dma_start3A_31 = tpu.memref_slice %arg8[%run_scoped3A, %dma_start3A_30] : memref<125x80xi32, #tpu.memory_space<vmem>> -> memref<1x80xi32, #tpu.memory_space<vmem>>
      %dma_start3A_32 = tpu.memref_squeeze %dma_start3A_31 : memref<1x80xi32, #tpu.memory_space<vmem>> -> memref<80xi32, #tpu.memory_space<vmem>>
      %dma_start3A_33 = arith.constant 0 : i32
      %dma_start3A_34 = arith.constant 0 : i32
      %dma_start3A_35 = tpu.memref_slice %arg11[%dma_start3A_33, %dma_start3A_34] : memref<10000x128xf32, #tpu.memory_space<vmem_shared>> -> memref<10000x128xf32, #tpu.memory_space<vmem_shared>>
      tpu.enqueue_indirect_dma source(%arg9 : memref<80x128xf32, #tpu.memory_space<vmem>>) target(%dma_start3A_35 : memref<10000x128xf32, #tpu.memory_space<vmem_shared>>) offsets(%dma_start3A_32 : memref<80xi32, #tpu.memory_space<vmem>>) semaphore(%run_scoped3A_29 : memref<!tpu.dma_semaphore, #tpu.memory_space<semaphore_mem>>) {add = true}
      %dma_wait3A_36 = arith.constant 0 : i32
      %dma_wait3A_37 = tpu.memref_slice %arg8[%run_scoped3A, %dma_wait3A_36] : memref<125x80xi32, #tpu.memory_space<vmem>> -> memref<1x80xi32, #tpu.memory_space<vmem>>
      %dma_wait3A_38 = tpu.memref_squeeze %dma_wait3A_37 : memref<1x80xi32, #tpu.memory_space<vmem>> -> memref<80xi32, #tpu.memory_space<vmem>>
      %dma_wait3A_39 = arith.constant 0 : i32
      %dma_wait3A_40 = arith.constant 0 : i32
      %dma_wait3A_41 = tpu.memref_slice %arg11[%dma_wait3A_39, %dma_wait3A_40] : memref<10000x128xf32, #tpu.memory_space<vmem_shared>> -> memref<10000x128xf32, #tpu.memory_space<vmem_shared>>
      tpu.wait_indirect_dma semaphore(%run_scoped3A_29 : memref<!tpu.dma_semaphore, #tpu.memory_space<semaphore_mem>>) src(%arg9 : memref<80x128xf32, #tpu.memory_space<vmem>>) dst(%dma_wait3A_41 : memref<10000x128xf32, #tpu.memory_space<vmem_shared>>)
      tpu.yield
    }) : () -> ()
    %barrier3A_19 = arith.constant 0 : index
    tpu.barrier barrier_id(%barrier3A_19)
    %mul3A_20 = arith.constant 624 : i32
    %mul3A_21 = arith.muli %arg1, %mul3A_20 : i32
    %mul3A_22 = arith.constant 624 : i32
    %mul3A_23 = arith.muli %arg1, %mul3A_22 : i32
    "tpu.region"() ({
      %run_scoped3A_29 = tpu.sem_alloc : memref<!tpu.dma_semaphore, #tpu.memory_space<semaphore_mem>>
      %dma_start3A_30 = arith.constant 0 : i32
      %dma_start3A_31 = tpu.memref_slice %arg6[%arg0, %mul3A_23, %dma_start3A_30] : memref<2x10000x128xf32, #tpu.memory_space<hbm>> -> memref<1x624x128xf32, #tpu.memory_space<hbm>>
      %dma_start3A_32 = tpu.memref_squeeze %dma_start3A_31 : memref<1x624x128xf32, #tpu.memory_space<hbm>> -> memref<624x128xf32, #tpu.memory_space<hbm>>
      %dma_start3A_33 = arith.constant 0 : i32
      %dma_start3A_34 = tpu.memref_slice %arg11[%mul3A_21, %dma_start3A_33] : memref<10000x128xf32, #tpu.memory_space<vmem_shared>> -> memref<624x128xf32, #tpu.memory_space<vmem_shared>>
      tpu.enqueue_dma source(%dma_start3A_34 : memref<624x128xf32, #tpu.memory_space<vmem_shared>>) target(%dma_start3A_32 : memref<624x128xf32, #tpu.memory_space<hbm>>) target_semaphore(%run_scoped3A_29 : memref<!tpu.dma_semaphore, #tpu.memory_space<semaphore_mem>>)
      %dma_wait3A_35 = arith.constant 0 : i32
      %dma_wait3A_36 = tpu.memref_slice %arg6[%arg0, %mul3A_23, %dma_wait3A_35] : memref<2x10000x128xf32, #tpu.memory_space<hbm>> -> memref<1x624x128xf32, #tpu.memory_space<hbm>>
      %dma_wait3A_37 = tpu.memref_squeeze %dma_wait3A_36 : memref<1x624x128xf32, #tpu.memory_space<hbm>> -> memref<624x128xf32, #tpu.memory_space<hbm>>
      %dma_wait3A_38 = arith.constant 0 : i32
      %dma_wait3A_39 = tpu.memref_slice %arg11[%mul3A_21, %dma_wait3A_38] : memref<10000x128xf32, #tpu.memory_space<vmem_shared>> -> memref<624x128xf32, #tpu.memory_space<vmem_shared>>
      tpu.wait_dma2 semaphore(%run_scoped3A_29 : memref<!tpu.dma_semaphore, #tpu.memory_space<semaphore_mem>>) src(%dma_wait3A_39 : memref<624x128xf32, #tpu.memory_space<vmem_shared>>) dst(%dma_wait3A_37 : memref<624x128xf32, #tpu.memory_space<hbm>>)
      tpu.yield
    }) : () -> ()
    %eq3A_24 = arith.constant 15 : i32
    %eq3A_25 = arith.cmpi eq, %arg1, %eq3A_24 : i32
    %convert_element_type3A_26 = arith.extui %eq3A_25 : i1 to i32
    %cond3A_27 = arith.constant 0 : i32
    %cond3A_28 = arith.cmpi ne, %convert_element_type3A_26, %cond3A_27 : i32
    scf.if %cond3A_28 {
      "tpu.region"() ({
        %run_scoped3A_29 = tpu.sem_alloc : memref<!tpu.dma_semaphore, #tpu.memory_space<semaphore_mem>>
        %dma_start3A_30 = arith.constant 9984 : i32
        %dma_start3A_31 = arith.constant 0 : i32
        %dma_start3A_32 = tpu.memref_slice %arg6[%arg0, %dma_start3A_30, %dma_start3A_31] : memref<2x10000x128xf32, #tpu.memory_space<hbm>> -> memref<1x16x128xf32, #tpu.memory_space<hbm>>
        %dma_start3A_33 = tpu.memref_squeeze %dma_start3A_32 : memref<1x16x128xf32, #tpu.memory_space<hbm>> -> memref<16x128xf32, #tpu.memory_space<hbm>>
        %dma_start3A_34 = arith.constant 9984 : i32
        %dma_start3A_35 = arith.constant 0 : i32
        %dma_start3A_36 = tpu.memref_slice %arg11[%dma_start3A_34, %dma_start3A_35] : memref<10000x128xf32, #tpu.memory_space<vmem_shared>> -> memref<16x128xf32, #tpu.memory_space<vmem_shared>>
        tpu.enqueue_dma source(%dma_start3A_36 : memref<16x128xf32, #tpu.memory_space<vmem_shared>>) target(%dma_start3A_33 : memref<16x128xf32, #tpu.memory_space<hbm>>) target_semaphore(%run_scoped3A_29 : memref<!tpu.dma_semaphore, #tpu.memory_space<semaphore_mem>>)
        %dma_wait3A_37 = arith.constant 9984 : i32
        %dma_wait3A_38 = arith.constant 0 : i32
        %dma_wait3A_39 = tpu.memref_slice %arg6[%arg0, %dma_wait3A_37, %dma_wait3A_38] : memref<2x10000x128xf32, #tpu.memory_space<hbm>> -> memref<1x16x128xf32, #tpu.memory_space<hbm>>
        %dma_wait3A_40 = tpu.memref_squeeze %dma_wait3A_39 : memref<1x16x128xf32, #tpu.memory_space<hbm>> -> memref<16x128xf32, #tpu.memory_space<hbm>>
        %dma_wait3A_41 = arith.constant 9984 : i32
        %dma_wait3A_42 = arith.constant 0 : i32
        %dma_wait3A_43 = tpu.memref_slice %arg11[%dma_wait3A_41, %dma_wait3A_42] : memref<10000x128xf32, #tpu.memory_space<vmem_shared>> -> memref<16x128xf32, #tpu.memory_space<vmem_shared>>
        tpu.wait_dma2 semaphore(%run_scoped3A_29 : memref<!tpu.dma_semaphore, #tpu.memory_space<semaphore_mem>>) src(%dma_wait3A_43 : memref<16x128xf32, #tpu.memory_space<vmem_shared>>) dst(%dma_wait3A_40 : memref<16x128xf32, #tpu.memory_space<hbm>>)
        tpu.yield
      }) : () -> ()
    } else {
    }
    return
  }
}

module attributes {stable_mosaic.version = 14 : i64} {
  func.func @_tc_layer_body(%arg0: i32, %arg1: memref<2x2000x128xf32, #tpu.memory_space<vmem>>, %arg2: memref<2000x128xf32, #tpu.memory_space<vmem>>, %arg3: memref<128x128xf32, #tpu.memory_space<vmem>>, %arg4: memref<128x128xf32, #tpu.memory_space<vmem>>, %arg5: memref<1x128xf32, #tpu.memory_space<vmem>>, %arg6: memref<2000x128xf32, #tpu.memory_space<vmem>>) attributes {dimension_semantics = [#tpu.dimension_semantics<arbitrary>], iteration_bounds = array<i64: 5>, scalar_prefetch = 0 : i64, scratch_operands = 0 : i64, tpu.core_type = #tpu.core_type<tc>, window_params = [{transform_indices = @transform_0, window_bounds = array<i64: 2, 2000, 128>}, {transform_indices = @transform_1, window_bounds = array<i64: 2000, 128>}, {pipeline_mode = #tpu.pipeline_mode<synchronous>, transform_indices = @transform_2, window_bounds = array<i64: 128, 128>}, {pipeline_mode = #tpu.pipeline_mode<synchronous>, transform_indices = @transform_3, window_bounds = array<i64: 128, 128>}, {pipeline_mode = #tpu.pipeline_mode<synchronous>, transform_indices = @transform_4, window_bounds = array<i64: 1, 128>}, {transform_indices = @transform_5, window_bounds = array<i64: 2000, 128>}]} {
    %get3A = arith.constant 0 : index
    %get3A_0 = arith.constant 0 : index
    %get3A_1 = arith.constant 0 : index
    %get3A_2 = vector.load %arg1[%get3A, %get3A_0, %get3A_1] : memref<2x2000x128xf32, #tpu.memory_space<vmem>>, vector<1x2000x128xf32>
    %get3A_3 = vector.shape_cast %get3A_2 : vector<1x2000x128xf32> to vector<2000x128xf32>
    %get3A_4 = arith.constant 1 : index
    %get3A_5 = arith.constant 0 : index
    %get3A_6 = arith.constant 0 : index
    %get3A_7 = vector.load %arg1[%get3A_4, %get3A_5, %get3A_6] : memref<2x2000x128xf32, #tpu.memory_space<vmem>>, vector<1x2000x128xf32>
    %get3A_8 = vector.shape_cast %get3A_7 : vector<1x2000x128xf32> to vector<2000x128xf32>
    %add3A = arith.addf %get3A_3, %get3A_8 : vector<2000x128xf32>
    %get3A_9 = arith.constant 0 : index
    %get3A_10 = arith.constant 0 : index
    %get3A_11 = vector.load %arg3[%get3A_9, %get3A_10] : memref<128x128xf32, #tpu.memory_space<vmem>>, vector<128x128xf32>
    %convert_element_type3A = arith.truncf %add3A : vector<2000x128xf32> to vector<2000x128xbf16>
    %convert_element_type3A_12 = arith.truncf %get3A_11 : vector<128x128xf32> to vector<128x128xbf16>
    %dot_general3A = arith.constant dense<0.000000e+00> : vector<2000x128xf32>
    %dot_general3A_13 = tpu.matmul %convert_element_type3A, %convert_element_type3A_12, %dot_general3A {dimension_numbers = #tpu.dot_dimension_numbers<[1], [0], [0], [1], [0, 0, 1, 1], [], []>, transpose_lhs_hint = false} : vector<2000x128xbf16>, vector<128x128xbf16>, vector<2000x128xf32> -> vector<2000x128xf32>
    %get3A_14 = arith.constant 0 : index
    %get3A_15 = arith.constant 0 : index
    %get3A_16 = vector.load %arg2[%get3A_14, %get3A_15] : memref<2000x128xf32, #tpu.memory_space<vmem>>, vector<2000x128xf32>
    %get3A_17 = arith.constant 0 : index
    %get3A_18 = arith.constant 0 : index
    %get3A_19 = vector.load %arg4[%get3A_17, %get3A_18] : memref<128x128xf32, #tpu.memory_space<vmem>>, vector<128x128xf32>
    %convert_element_type3A_20 = arith.truncf %get3A_16 : vector<2000x128xf32> to vector<2000x128xbf16>
    %convert_element_type3A_21 = arith.truncf %get3A_19 : vector<128x128xf32> to vector<128x128xbf16>
    %dot_general3A_22 = arith.constant dense<0.000000e+00> : vector<2000x128xf32>
    %dot_general3A_23 = tpu.matmul %convert_element_type3A_20, %convert_element_type3A_21, %dot_general3A_22 {dimension_numbers = #tpu.dot_dimension_numbers<[1], [0], [0], [1], [0, 0, 1, 1], [], []>, transpose_lhs_hint = false} : vector<2000x128xbf16>, vector<128x128xbf16>, vector<2000x128xf32> -> vector<2000x128xf32>
    %add3A_24 = arith.addf %dot_general3A_13, %dot_general3A_23 : vector<2000x128xf32>
    %get3A_25 = arith.constant 0 : index
    %get3A_26 = arith.constant 0 : index
    %get3A_27 = vector.load %arg5[%get3A_25, %get3A_26] : memref<1x128xf32, #tpu.memory_space<vmem>>, vector<1x128xf32>
    %add3A_28 = vector.broadcast %get3A_27 : vector<1x128xf32> to vector<2000x128xf32>
    %add3A_29 = arith.addf %add3A_24, %add3A_28 : vector<2000x128xf32>
    %max3A = arith.constant 0.000000e+00 : f32
    %max3A_30 = vector.broadcast %max3A : f32 to vector<2000x128xf32>
    %max3A_31 = arith.maximumf %add3A_29, %max3A_30 : vector<2000x128xf32>
    %swap3A = arith.constant 0 : index
    %swap3A_32 = arith.constant 0 : index
    %swap3A_33 = vector.load %arg6[%swap3A, %swap3A_32] : memref<2000x128xf32, #tpu.memory_space<vmem>>, vector<2000x128xf32>
    tpu.vector_store %arg6[%swap3A, %swap3A_32], %max3A_31 {strides = array<i32>} : memref<2000x128xf32, #tpu.memory_space<vmem>>, vector<2000x128xf32>,
    return
  }
  func.func @transform_0(%arg0: i32) -> (i32, i32, i32) {
    %c0_i32 = arith.constant 0 : i32
    %c0_i32_0 = arith.constant 0 : i32
    %c0_i32_1 = arith.constant 0 : i32
    return %c0_i32, %arg0, %c0_i32_0 : i32, i32, i32
  }
  func.func @transform_1(%arg0: i32) -> (i32, i32) {
    %c0_i32 = arith.constant 0 : i32
    %c0_i32_0 = arith.constant 0 : i32
    return %arg0, %c0_i32 : i32, i32
  }
  func.func @transform_2(%arg0: i32) -> (i32, i32) {
    %c0_i32 = arith.constant 0 : i32
    %c0_i32_0 = arith.constant 0 : i32
    %c0_i32_1 = arith.constant 0 : i32
    return %c0_i32, %c0_i32_0 : i32, i32
  }
  func.func @transform_3(%arg0: i32) -> (i32, i32) {
    %c0_i32 = arith.constant 0 : i32
    %c0_i32_0 = arith.constant 0 : i32
    %c0_i32_1 = arith.constant 0 : i32
    return %c0_i32, %c0_i32_0 : i32, i32
  }
  func.func @transform_4(%arg0: i32) -> (i32, i32) {
    %c0_i32 = arith.constant 0 : i32
    %c0_i32_0 = arith.constant 0 : i32
    %c0_i32_1 = arith.constant 0 : i32
    return %c0_i32, %c0_i32_0 : i32, i32
  }
  func.func @transform_5(%arg0: i32) -> (i32, i32) {
    %c0_i32 = arith.constant 0 : i32
    %c0_i32_0 = arith.constant 0 : i32
    return %arg0, %c0_i32 : i32, i32
  }
}

module attributes {stable_mosaic.version = 14 : i64} {
  func.func @_tc_final_body(%arg0: i32, %arg1: memref<2x2000x128xf32, #tpu.memory_space<vmem>>, %arg2: memref<2000x128xf32, #tpu.memory_space<vmem>>, %arg3: memref<128x128xf32, #tpu.memory_space<vmem>>, %arg4: memref<128x128xf32, #tpu.memory_space<vmem>>, %arg5: memref<1x128xf32, #tpu.memory_space<vmem>>, %arg6: memref<1x2000x1xi32, #tpu.memory_space<vmem>>, %arg7: memref<128x5xf32, #tpu.memory_space<vmem>>, %arg8: memref<1x5xf32, #tpu.memory_space<vmem>>, %arg9: memref<5x1xf32, #tpu.memory_space<vmem>>, %arg10: memref<1x1xf32, #tpu.memory_space<vmem>>, %arg11: memref<16x1xf32, #tpu.memory_space<vmem>>, %arg12: memref<16x128xf32, #tpu.memory_space<vmem>>) attributes {dimension_semantics = [#tpu.dimension_semantics<arbitrary>], iteration_bounds = array<i64: 5>, scalar_prefetch = 0 : i64, scratch_operands = 1 : i64, tpu.core_type = #tpu.core_type<tc>, window_params = [{transform_indices = @transform_0, window_bounds = array<i64: 2, 2000, 128>}, {transform_indices = @transform_1, window_bounds = array<i64: 2000, 128>}, {pipeline_mode = #tpu.pipeline_mode<synchronous>, transform_indices = @transform_2, window_bounds = array<i64: 128, 128>}, {pipeline_mode = #tpu.pipeline_mode<synchronous>, transform_indices = @transform_3, window_bounds = array<i64: 128, 128>}, {pipeline_mode = #tpu.pipeline_mode<synchronous>, transform_indices = @transform_4, window_bounds = array<i64: 1, 128>}, {transform_indices = @transform_5, window_bounds = array<i64: 1, 2000, 1>}, {pipeline_mode = #tpu.pipeline_mode<synchronous>, transform_indices = @transform_6, window_bounds = array<i64: 128, 5>}, {pipeline_mode = #tpu.pipeline_mode<synchronous>, transform_indices = @transform_7, window_bounds = array<i64: 1, 5>}, {pipeline_mode = #tpu.pipeline_mode<synchronous>, transform_indices = @transform_8, window_bounds = array<i64: 5, 1>}, {pipeline_mode = #tpu.pipeline_mode<synchronous>, transform_indices = @transform_9, window_bounds = array<i64: 1, 1>}, {pipeline_mode = #tpu.pipeline_mode<synchronous>, transform_indices = @transform_10, window_bounds = array<i64: 16, 1>}]} {
    %get3A = arith.constant 0 : index
    %get3A_0 = arith.constant 0 : index
    %get3A_1 = arith.constant 0 : index
    %get3A_2 = vector.load %arg1[%get3A, %get3A_0, %get3A_1] : memref<2x2000x128xf32, #tpu.memory_space<vmem>>, vector<1x2000x128xf32>
    %get3A_3 = vector.shape_cast %get3A_2 : vector<1x2000x128xf32> to vector<2000x128xf32>
    %get3A_4 = arith.constant 1 : index
    %get3A_5 = arith.constant 0 : index
    %get3A_6 = arith.constant 0 : index
    %get3A_7 = vector.load %arg1[%get3A_4, %get3A_5, %get3A_6] : memref<2x2000x128xf32, #tpu.memory_space<vmem>>, vector<1x2000x128xf32>
    %get3A_8 = vector.shape_cast %get3A_7 : vector<1x2000x128xf32> to vector<2000x128xf32>
    %add3A = arith.addf %get3A_3, %get3A_8 : vector<2000x128xf32>
    %get3A_9 = arith.constant 0 : index
    %get3A_10 = arith.constant 0 : index
    %get3A_11 = vector.load %arg3[%get3A_9, %get3A_10] : memref<128x128xf32, #tpu.memory_space<vmem>>, vector<128x128xf32>
    %convert_element_type3A = arith.truncf %add3A : vector<2000x128xf32> to vector<2000x128xbf16>
    %convert_element_type3A_12 = arith.truncf %get3A_11 : vector<128x128xf32> to vector<128x128xbf16>
    %dot_general3A = arith.constant dense<0.000000e+00> : vector<2000x128xf32>
    %dot_general3A_13 = tpu.matmul %convert_element_type3A, %convert_element_type3A_12, %dot_general3A {dimension_numbers = #tpu.dot_dimension_numbers<[1], [0], [0], [1], [0, 0, 1, 1], [], []>, transpose_lhs_hint = false} : vector<2000x128xbf16>, vector<128x128xbf16>, vector<2000x128xf32> -> vector<2000x128xf32>
    %get3A_14 = arith.constant 0 : index
    %get3A_15 = arith.constant 0 : index
    %get3A_16 = vector.load %arg2[%get3A_14, %get3A_15] : memref<2000x128xf32, #tpu.memory_space<vmem>>, vector<2000x128xf32>
    %get3A_17 = arith.constant 0 : index
    %get3A_18 = arith.constant 0 : index
    %get3A_19 = vector.load %arg4[%get3A_17, %get3A_18] : memref<128x128xf32, #tpu.memory_space<vmem>>, vector<128x128xf32>
    %convert_element_type3A_20 = arith.truncf %get3A_16 : vector<2000x128xf32> to vector<2000x128xbf16>
    %convert_element_type3A_21 = arith.truncf %get3A_19 : vector<128x128xf32> to vector<128x128xbf16>
    %dot_general3A_22 = arith.constant dense<0.000000e+00> : vector<2000x128xf32>
    %dot_general3A_23 = tpu.matmul %convert_element_type3A_20, %convert_element_type3A_21, %dot_general3A_22 {dimension_numbers = #tpu.dot_dimension_numbers<[1], [0], [0], [1], [0, 0, 1, 1], [], []>, transpose_lhs_hint = false} : vector<2000x128xbf16>, vector<128x128xbf16>, vector<2000x128xf32> -> vector<2000x128xf32>
    %add3A_24 = arith.addf %dot_general3A_13, %dot_general3A_23 : vector<2000x128xf32>
    %get3A_25 = arith.constant 0 : index
    %get3A_26 = arith.constant 0 : index
    %get3A_27 = vector.load %arg5[%get3A_25, %get3A_26] : memref<1x128xf32, #tpu.memory_space<vmem>>, vector<1x128xf32>
    %add3A_28 = vector.broadcast %get3A_27 : vector<1x128xf32> to vector<2000x128xf32>
    %add3A_29 = arith.addf %add3A_24, %add3A_28 : vector<2000x128xf32>
    %get3A_30 = arith.constant 0 : index
    %get3A_31 = arith.constant 0 : index
    %get3A_32 = arith.constant 0 : index
    %get3A_33 = vector.load %arg6[%get3A_30, %get3A_31, %get3A_32] : memref<1x2000x1xi32, #tpu.memory_space<vmem>>, vector<1x2000x1xi32>
    %get3A_34 = vector.shape_cast %get3A_33 : vector<1x2000x1xi32> to vector<2000x1xi32>
    %broadcast_in_dim3A = arith.constant 0xFF800000 : f32
    %broadcast_in_dim3A_35 = vector.broadcast %broadcast_in_dim3A : f32 to vector<2000x128xf32>
    %eq3A = arith.constant 0 : i32
    %eq3A_36 = arith.cmpi eq, %arg0, %eq3A : i32
    %convert_element_type3A_37 = arith.extui %eq3A_36 : i1 to i32
    %cond3A = arith.constant 0 : i32
    %cond3A_38 = arith.cmpi ne, %convert_element_type3A_37, %cond3A : i32
    scf.if %cond3A_38 {
      %broadcast_in_dim3A_328 = arith.constant 0xFF800000 : f32
      %broadcast_in_dim3A_329 = vector.broadcast %broadcast_in_dim3A_328 : f32 to vector<16x128xf32>
      %swap3A_330 = arith.constant 0 : index
      %swap3A_331 = arith.constant 0 : index
      %swap3A_332 = vector.load %arg12[%swap3A_330, %swap3A_331] : memref<16x128xf32, #tpu.memory_space<vmem>>, vector<16x128xf32>
      tpu.vector_store %arg12[%swap3A_330, %swap3A_331], %broadcast_in_dim3A_329 {strides = array<i32>} : memref<16x128xf32, #tpu.memory_space<vmem>>, vector<16x128xf32>,
    } else {
    }
    %eq3A_39 = arith.constant 0 : i32
    %eq3A_40 = vector.broadcast %eq3A_39 : i32 to vector<2000x1xi32>
    %eq3A_41 = arith.cmpi eq, %get3A_34, %eq3A_40 : vector<2000x1xi32>
    %broadcast_in_dim3A_42 = vector.shape_cast %eq3A_41 : vector<2000x1xi1> to vector<2000x1xi1>
    %broadcast_in_dim3A_43 = vector.broadcast %broadcast_in_dim3A_42 : vector<2000x1xi1> to vector<2000x128xi1>
    %select_n3A = arith.select %broadcast_in_dim3A_43, %add3A_29, %broadcast_in_dim3A_35 : vector<2000x128xi1>, vector<2000x128xf32>
    %reduce_max3A = arith.constant dense<0xFF800000> : vector<128xf32>
    %reduce_max3A_44 = vector.multi_reduction <maximumf>, %select_n3A, %reduce_max3A [0] : vector<2000x128xf32> to vector<128xf32>
    %get3A_45 = arith.constant 0 : index
    %get3A_46 = arith.constant 0 : index
    %get3A_47 = vector.load %arg12[%get3A_45, %get3A_46] : memref<16x128xf32, #tpu.memory_space<vmem>>, vector<1x128xf32>
    %get3A_48 = vector.shape_cast %get3A_47 : vector<1x128xf32> to vector<128xf32>
    %max3A = arith.maximumf %get3A_48, %reduce_max3A_44 : vector<128xf32>
    %swap3A = arith.constant 0 : index
    %swap3A_49 = arith.constant 0 : index
    %swap3A_50 = vector.load %arg12[%swap3A, %swap3A_49] : memref<16x128xf32, #tpu.memory_space<vmem>>, vector<1x128xf32>
    %swap3A_51 = vector.shape_cast %swap3A_50 : vector<1x128xf32> to vector<128xf32>
    %swap3A_52 = vector.shape_cast %max3A : vector<128xf32> to vector<1x128xf32>
    tpu.vector_store %arg12[%swap3A, %swap3A_49], %swap3A_52 {strides = array<i32>} : memref<16x128xf32, #tpu.memory_space<vmem>>, vector<1x128xf32>,
    %eq3A_53 = arith.constant 1 : i32
    %eq3A_54 = vector.broadcast %eq3A_53 : i32 to vector<2000x1xi32>
    %eq3A_55 = arith.cmpi eq, %get3A_34, %eq3A_54 : vector<2000x1xi32>
    %broadcast_in_dim3A_56 = vector.shape_cast %eq3A_55 : vector<2000x1xi1> to vector<2000x1xi1>
    %broadcast_in_dim3A_57 = vector.broadcast %broadcast_in_dim3A_56 : vector<2000x1xi1> to vector<2000x128xi1>
    %select_n3A_58 = arith.select %broadcast_in_dim3A_57, %add3A_29, %broadcast_in_dim3A_35 : vector<2000x128xi1>, vector<2000x128xf32>
    %reduce_max3A_59 = arith.constant dense<0xFF800000> : vector<128xf32>
    %reduce_max3A_60 = vector.multi_reduction <maximumf>, %select_n3A_58, %reduce_max3A_59 [0] : vector<2000x128xf32> to vector<128xf32>
    %get3A_61 = arith.constant 1 : index
    %get3A_62 = arith.constant 0 : index
    %get3A_63 = vector.load %arg12[%get3A_61, %get3A_62] : memref<16x128xf32, #tpu.memory_space<vmem>>, vector<1x128xf32>
    %get3A_64 = vector.shape_cast %get3A_63 : vector<1x128xf32> to vector<128xf32>
    %max3A_65 = arith.maximumf %get3A_64, %reduce_max3A_60 : vector<128xf32>
    %swap3A_66 = arith.constant 1 : index
    %swap3A_67 = arith.constant 0 : index
    %swap3A_68 = vector.load %arg12[%swap3A_66, %swap3A_67] : memref<16x128xf32, #tpu.memory_space<vmem>>, vector<1x128xf32>
    %swap3A_69 = vector.shape_cast %swap3A_68 : vector<1x128xf32> to vector<128xf32>
    %swap3A_70 = vector.shape_cast %max3A_65 : vector<128xf32> to vector<1x128xf32>
    tpu.vector_store %arg12[%swap3A_66, %swap3A_67], %swap3A_70 {strides = array<i32>} : memref<16x128xf32, #tpu.memory_space<vmem>>, vector<1x128xf32>,
    %eq3A_71 = arith.constant 2 : i32
    %eq3A_72 = vector.broadcast %eq3A_71 : i32 to vector<2000x1xi32>
    %eq3A_73 = arith.cmpi eq, %get3A_34, %eq3A_72 : vector<2000x1xi32>
    %broadcast_in_dim3A_74 = vector.shape_cast %eq3A_73 : vector<2000x1xi1> to vector<2000x1xi1>
    %broadcast_in_dim3A_75 = vector.broadcast %broadcast_in_dim3A_74 : vector<2000x1xi1> to vector<2000x128xi1>
    %select_n3A_76 = arith.select %broadcast_in_dim3A_75, %add3A_29, %broadcast_in_dim3A_35 : vector<2000x128xi1>, vector<2000x128xf32>
    %reduce_max3A_77 = arith.constant dense<0xFF800000> : vector<128xf32>
    %reduce_max3A_78 = vector.multi_reduction <maximumf>, %select_n3A_76, %reduce_max3A_77 [0] : vector<2000x128xf32> to vector<128xf32>
    %get3A_79 = arith.constant 2 : index
    %get3A_80 = arith.constant 0 : index
    %get3A_81 = vector.load %arg12[%get3A_79, %get3A_80] : memref<16x128xf32, #tpu.memory_space<vmem>>, vector<1x128xf32>
    %get3A_82 = vector.shape_cast %get3A_81 : vector<1x128xf32> to vector<128xf32>
    %max3A_83 = arith.maximumf %get3A_82, %reduce_max3A_78 : vector<128xf32>
    %swap3A_84 = arith.constant 2 : index
    %swap3A_85 = arith.constant 0 : index
    %swap3A_86 = vector.load %arg12[%swap3A_84, %swap3A_85] : memref<16x128xf32, #tpu.memory_space<vmem>>, vector<1x128xf32>
    %swap3A_87 = vector.shape_cast %swap3A_86 : vector<1x128xf32> to vector<128xf32>
    %swap3A_88 = vector.shape_cast %max3A_83 : vector<128xf32> to vector<1x128xf32>
    tpu.vector_store %arg12[%swap3A_84, %swap3A_85], %swap3A_88 {strides = array<i32>} : memref<16x128xf32, #tpu.memory_space<vmem>>, vector<1x128xf32>,
    %eq3A_89 = arith.constant 3 : i32
    %eq3A_90 = vector.broadcast %eq3A_89 : i32 to vector<2000x1xi32>
    %eq3A_91 = arith.cmpi eq, %get3A_34, %eq3A_90 : vector<2000x1xi32>
    %broadcast_in_dim3A_92 = vector.shape_cast %eq3A_91 : vector<2000x1xi1> to vector<2000x1xi1>
    %broadcast_in_dim3A_93 = vector.broadcast %broadcast_in_dim3A_92 : vector<2000x1xi1> to vector<2000x128xi1>
    %select_n3A_94 = arith.select %broadcast_in_dim3A_93, %add3A_29, %broadcast_in_dim3A_35 : vector<2000x128xi1>, vector<2000x128xf32>
    %reduce_max3A_95 = arith.constant dense<0xFF800000> : vector<128xf32>
    %reduce_max3A_96 = vector.multi_reduction <maximumf>, %select_n3A_94, %reduce_max3A_95 [0] : vector<2000x128xf32> to vector<128xf32>
    %get3A_97 = arith.constant 3 : index
    %get3A_98 = arith.constant 0 : index
    %get3A_99 = vector.load %arg12[%get3A_97, %get3A_98] : memref<16x128xf32, #tpu.memory_space<vmem>>, vector<1x128xf32>
    %get3A_100 = vector.shape_cast %get3A_99 : vector<1x128xf32> to vector<128xf32>
    %max3A_101 = arith.maximumf %get3A_100, %reduce_max3A_96 : vector<128xf32>
    %swap3A_102 = arith.constant 3 : index
    %swap3A_103 = arith.constant 0 : index
    %swap3A_104 = vector.load %arg12[%swap3A_102, %swap3A_103] : memref<16x128xf32, #tpu.memory_space<vmem>>, vector<1x128xf32>
    %swap3A_105 = vector.shape_cast %swap3A_104 : vector<1x128xf32> to vector<128xf32>
    %swap3A_106 = vector.shape_cast %max3A_101 : vector<128xf32> to vector<1x128xf32>
    tpu.vector_store %arg12[%swap3A_102, %swap3A_103], %swap3A_106 {strides = array<i32>} : memref<16x128xf32, #tpu.memory_space<vmem>>, vector<1x128xf32>,
    %eq3A_107 = arith.constant 4 : i32
    %eq3A_108 = vector.broadcast %eq3A_107 : i32 to vector<2000x1xi32>
    %eq3A_109 = arith.cmpi eq, %get3A_34, %eq3A_108 : vector<2000x1xi32>
    %broadcast_in_dim3A_110 = vector.shape_cast %eq3A_109 : vector<2000x1xi1> to vector<2000x1xi1>
    %broadcast_in_dim3A_111 = vector.broadcast %broadcast_in_dim3A_110 : vector<2000x1xi1> to vector<2000x128xi1>
    %select_n3A_112 = arith.select %broadcast_in_dim3A_111, %add3A_29, %broadcast_in_dim3A_35 : vector<2000x128xi1>, vector<2000x128xf32>
    %reduce_max3A_113 = arith.constant dense<0xFF800000> : vector<128xf32>
    %reduce_max3A_114 = vector.multi_reduction <maximumf>, %select_n3A_112, %reduce_max3A_113 [0] : vector<2000x128xf32> to vector<128xf32>
    %get3A_115 = arith.constant 4 : index
    %get3A_116 = arith.constant 0 : index
    %get3A_117 = vector.load %arg12[%get3A_115, %get3A_116] : memref<16x128xf32, #tpu.memory_space<vmem>>, vector<1x128xf32>
    %get3A_118 = vector.shape_cast %get3A_117 : vector<1x128xf32> to vector<128xf32>
    %max3A_119 = arith.maximumf %get3A_118, %reduce_max3A_114 : vector<128xf32>
    %swap3A_120 = arith.constant 4 : index
    %swap3A_121 = arith.constant 0 : index
    %swap3A_122 = vector.load %arg12[%swap3A_120, %swap3A_121] : memref<16x128xf32, #tpu.memory_space<vmem>>, vector<1x128xf32>
    %swap3A_123 = vector.shape_cast %swap3A_122 : vector<1x128xf32> to vector<128xf32>
    %swap3A_124 = vector.shape_cast %max3A_119 : vector<128xf32> to vector<1x128xf32>
    tpu.vector_store %arg12[%swap3A_120, %swap3A_121], %swap3A_124 {strides = array<i32>} : memref<16x128xf32, #tpu.memory_space<vmem>>, vector<1x128xf32>,
    %eq3A_125 = arith.constant 5 : i32
    %eq3A_126 = vector.broadcast %eq3A_125 : i32 to vector<2000x1xi32>
    %eq3A_127 = arith.cmpi eq, %get3A_34, %eq3A_126 : vector<2000x1xi32>
    %broadcast_in_dim3A_128 = vector.shape_cast %eq3A_127 : vector<2000x1xi1> to vector<2000x1xi1>
    %broadcast_in_dim3A_129 = vector.broadcast %broadcast_in_dim3A_128 : vector<2000x1xi1> to vector<2000x128xi1>
    %select_n3A_130 = arith.select %broadcast_in_dim3A_129, %add3A_29, %broadcast_in_dim3A_35 : vector<2000x128xi1>, vector<2000x128xf32>
    %reduce_max3A_131 = arith.constant dense<0xFF800000> : vector<128xf32>
    %reduce_max3A_132 = vector.multi_reduction <maximumf>, %select_n3A_130, %reduce_max3A_131 [0] : vector<2000x128xf32> to vector<128xf32>
    %get3A_133 = arith.constant 5 : index
    %get3A_134 = arith.constant 0 : index
    %get3A_135 = vector.load %arg12[%get3A_133, %get3A_134] : memref<16x128xf32, #tpu.memory_space<vmem>>, vector<1x128xf32>
    %get3A_136 = vector.shape_cast %get3A_135 : vector<1x128xf32> to vector<128xf32>
    %max3A_137 = arith.maximumf %get3A_136, %reduce_max3A_132 : vector<128xf32>
    %swap3A_138 = arith.constant 5 : index
    %swap3A_139 = arith.constant 0 : index
    %swap3A_140 = vector.load %arg12[%swap3A_138, %swap3A_139] : memref<16x128xf32, #tpu.memory_space<vmem>>, vector<1x128xf32>
    %swap3A_141 = vector.shape_cast %swap3A_140 : vector<1x128xf32> to vector<128xf32>
    %swap3A_142 = vector.shape_cast %max3A_137 : vector<128xf32> to vector<1x128xf32>
    tpu.vector_store %arg12[%swap3A_138, %swap3A_139], %swap3A_142 {strides = array<i32>} : memref<16x128xf32, #tpu.memory_space<vmem>>, vector<1x128xf32>,
    %eq3A_143 = arith.constant 6 : i32
    %eq3A_144 = vector.broadcast %eq3A_143 : i32 to vector<2000x1xi32>
    %eq3A_145 = arith.cmpi eq, %get3A_34, %eq3A_144 : vector<2000x1xi32>
    %broadcast_in_dim3A_146 = vector.shape_cast %eq3A_145 : vector<2000x1xi1> to vector<2000x1xi1>
    %broadcast_in_dim3A_147 = vector.broadcast %broadcast_in_dim3A_146 : vector<2000x1xi1> to vector<2000x128xi1>
    %select_n3A_148 = arith.select %broadcast_in_dim3A_147, %add3A_29, %broadcast_in_dim3A_35 : vector<2000x128xi1>, vector<2000x128xf32>
    %reduce_max3A_149 = arith.constant dense<0xFF800000> : vector<128xf32>
    %reduce_max3A_150 = vector.multi_reduction <maximumf>, %select_n3A_148, %reduce_max3A_149 [0] : vector<2000x128xf32> to vector<128xf32>
    %get3A_151 = arith.constant 6 : index
    %get3A_152 = arith.constant 0 : index
    %get3A_153 = vector.load %arg12[%get3A_151, %get3A_152] : memref<16x128xf32, #tpu.memory_space<vmem>>, vector<1x128xf32>
    %get3A_154 = vector.shape_cast %get3A_153 : vector<1x128xf32> to vector<128xf32>
    %max3A_155 = arith.maximumf %get3A_154, %reduce_max3A_150 : vector<128xf32>
    %swap3A_156 = arith.constant 6 : index
    %swap3A_157 = arith.constant 0 : index
    %swap3A_158 = vector.load %arg12[%swap3A_156, %swap3A_157] : memref<16x128xf32, #tpu.memory_space<vmem>>, vector<1x128xf32>
    %swap3A_159 = vector.shape_cast %swap3A_158 : vector<1x128xf32> to vector<128xf32>
    %swap3A_160 = vector.shape_cast %max3A_155 : vector<128xf32> to vector<1x128xf32>
    tpu.vector_store %arg12[%swap3A_156, %swap3A_157], %swap3A_160 {strides = array<i32>} : memref<16x128xf32, #tpu.memory_space<vmem>>, vector<1x128xf32>,
    %eq3A_161 = arith.constant 7 : i32
    %eq3A_162 = vector.broadcast %eq3A_161 : i32 to vector<2000x1xi32>
    %eq3A_163 = arith.cmpi eq, %get3A_34, %eq3A_162 : vector<2000x1xi32>
    %broadcast_in_dim3A_164 = vector.shape_cast %eq3A_163 : vector<2000x1xi1> to vector<2000x1xi1>
    %broadcast_in_dim3A_165 = vector.broadcast %broadcast_in_dim3A_164 : vector<2000x1xi1> to vector<2000x128xi1>
    %select_n3A_166 = arith.select %broadcast_in_dim3A_165, %add3A_29, %broadcast_in_dim3A_35 : vector<2000x128xi1>, vector<2000x128xf32>
    %reduce_max3A_167 = arith.constant dense<0xFF800000> : vector<128xf32>
    %reduce_max3A_168 = vector.multi_reduction <maximumf>, %select_n3A_166, %reduce_max3A_167 [0] : vector<2000x128xf32> to vector<128xf32>
    %get3A_169 = arith.constant 7 : index
    %get3A_170 = arith.constant 0 : index
    %get3A_171 = vector.load %arg12[%get3A_169, %get3A_170] : memref<16x128xf32, #tpu.memory_space<vmem>>, vector<1x128xf32>
    %get3A_172 = vector.shape_cast %get3A_171 : vector<1x128xf32> to vector<128xf32>
    %max3A_173 = arith.maximumf %get3A_172, %reduce_max3A_168 : vector<128xf32>
    %swap3A_174 = arith.constant 7 : index
    %swap3A_175 = arith.constant 0 : index
    %swap3A_176 = vector.load %arg12[%swap3A_174, %swap3A_175] : memref<16x128xf32, #tpu.memory_space<vmem>>, vector<1x128xf32>
    %swap3A_177 = vector.shape_cast %swap3A_176 : vector<1x128xf32> to vector<128xf32>
    %swap3A_178 = vector.shape_cast %max3A_173 : vector<128xf32> to vector<1x128xf32>
    tpu.vector_store %arg12[%swap3A_174, %swap3A_175], %swap3A_178 {strides = array<i32>} : memref<16x128xf32, #tpu.memory_space<vmem>>, vector<1x128xf32>,
    %eq3A_179 = arith.constant 8 : i32
    %eq3A_180 = vector.broadcast %eq3A_179 : i32 to vector<2000x1xi32>
    %eq3A_181 = arith.cmpi eq, %get3A_34, %eq3A_180 : vector<2000x1xi32>
    %broadcast_in_dim3A_182 = vector.shape_cast %eq3A_181 : vector<2000x1xi1> to vector<2000x1xi1>
    %broadcast_in_dim3A_183 = vector.broadcast %broadcast_in_dim3A_182 : vector<2000x1xi1> to vector<2000x128xi1>
    %select_n3A_184 = arith.select %broadcast_in_dim3A_183, %add3A_29, %broadcast_in_dim3A_35 : vector<2000x128xi1>, vector<2000x128xf32>
    %reduce_max3A_185 = arith.constant dense<0xFF800000> : vector<128xf32>
    %reduce_max3A_186 = vector.multi_reduction <maximumf>, %select_n3A_184, %reduce_max3A_185 [0] : vector<2000x128xf32> to vector<128xf32>
    %get3A_187 = arith.constant 8 : index
    %get3A_188 = arith.constant 0 : index
    %get3A_189 = vector.load %arg12[%get3A_187, %get3A_188] : memref<16x128xf32, #tpu.memory_space<vmem>>, vector<1x128xf32>
    %get3A_190 = vector.shape_cast %get3A_189 : vector<1x128xf32> to vector<128xf32>
    %max3A_191 = arith.maximumf %get3A_190, %reduce_max3A_186 : vector<128xf32>
    %swap3A_192 = arith.constant 8 : index
    %swap3A_193 = arith.constant 0 : index
    %swap3A_194 = vector.load %arg12[%swap3A_192, %swap3A_193] : memref<16x128xf32, #tpu.memory_space<vmem>>, vector<1x128xf32>
    %swap3A_195 = vector.shape_cast %swap3A_194 : vector<1x128xf32> to vector<128xf32>
    %swap3A_196 = vector.shape_cast %max3A_191 : vector<128xf32> to vector<1x128xf32>
    tpu.vector_store %arg12[%swap3A_192, %swap3A_193], %swap3A_196 {strides = array<i32>} : memref<16x128xf32, #tpu.memory_space<vmem>>, vector<1x128xf32>,
    %eq3A_197 = arith.constant 9 : i32
    %eq3A_198 = vector.broadcast %eq3A_197 : i32 to vector<2000x1xi32>
    %eq3A_199 = arith.cmpi eq, %get3A_34, %eq3A_198 : vector<2000x1xi32>
    %broadcast_in_dim3A_200 = vector.shape_cast %eq3A_199 : vector<2000x1xi1> to vector<2000x1xi1>
    %broadcast_in_dim3A_201 = vector.broadcast %broadcast_in_dim3A_200 : vector<2000x1xi1> to vector<2000x128xi1>
    %select_n3A_202 = arith.select %broadcast_in_dim3A_201, %add3A_29, %broadcast_in_dim3A_35 : vector<2000x128xi1>, vector<2000x128xf32>
    %reduce_max3A_203 = arith.constant dense<0xFF800000> : vector<128xf32>
    %reduce_max3A_204 = vector.multi_reduction <maximumf>, %select_n3A_202, %reduce_max3A_203 [0] : vector<2000x128xf32> to vector<128xf32>
    %get3A_205 = arith.constant 9 : index
    %get3A_206 = arith.constant 0 : index
    %get3A_207 = vector.load %arg12[%get3A_205, %get3A_206] : memref<16x128xf32, #tpu.memory_space<vmem>>, vector<1x128xf32>
    %get3A_208 = vector.shape_cast %get3A_207 : vector<1x128xf32> to vector<128xf32>
    %max3A_209 = arith.maximumf %get3A_208, %reduce_max3A_204 : vector<128xf32>
    %swap3A_210 = arith.constant 9 : index
    %swap3A_211 = arith.constant 0 : index
    %swap3A_212 = vector.load %arg12[%swap3A_210, %swap3A_211] : memref<16x128xf32, #tpu.memory_space<vmem>>, vector<1x128xf32>
    %swap3A_213 = vector.shape_cast %swap3A_212 : vector<1x128xf32> to vector<128xf32>
    %swap3A_214 = vector.shape_cast %max3A_209 : vector<128xf32> to vector<1x128xf32>
    tpu.vector_store %arg12[%swap3A_210, %swap3A_211], %swap3A_214 {strides = array<i32>} : memref<16x128xf32, #tpu.memory_space<vmem>>, vector<1x128xf32>,
    %eq3A_215 = arith.constant 10 : i32
    %eq3A_216 = vector.broadcast %eq3A_215 : i32 to vector<2000x1xi32>
    %eq3A_217 = arith.cmpi eq, %get3A_34, %eq3A_216 : vector<2000x1xi32>
    %broadcast_in_dim3A_218 = vector.shape_cast %eq3A_217 : vector<2000x1xi1> to vector<2000x1xi1>
    %broadcast_in_dim3A_219 = vector.broadcast %broadcast_in_dim3A_218 : vector<2000x1xi1> to vector<2000x128xi1>
    %select_n3A_220 = arith.select %broadcast_in_dim3A_219, %add3A_29, %broadcast_in_dim3A_35 : vector<2000x128xi1>, vector<2000x128xf32>
    %reduce_max3A_221 = arith.constant dense<0xFF800000> : vector<128xf32>
    %reduce_max3A_222 = vector.multi_reduction <maximumf>, %select_n3A_220, %reduce_max3A_221 [0] : vector<2000x128xf32> to vector<128xf32>
    %get3A_223 = arith.constant 10 : index
    %get3A_224 = arith.constant 0 : index
    %get3A_225 = vector.load %arg12[%get3A_223, %get3A_224] : memref<16x128xf32, #tpu.memory_space<vmem>>, vector<1x128xf32>
    %get3A_226 = vector.shape_cast %get3A_225 : vector<1x128xf32> to vector<128xf32>
    %max3A_227 = arith.maximumf %get3A_226, %reduce_max3A_222 : vector<128xf32>
    %swap3A_228 = arith.constant 10 : index
    %swap3A_229 = arith.constant 0 : index
    %swap3A_230 = vector.load %arg12[%swap3A_228, %swap3A_229] : memref<16x128xf32, #tpu.memory_space<vmem>>, vector<1x128xf32>
    %swap3A_231 = vector.shape_cast %swap3A_230 : vector<1x128xf32> to vector<128xf32>
    %swap3A_232 = vector.shape_cast %max3A_227 : vector<128xf32> to vector<1x128xf32>
    tpu.vector_store %arg12[%swap3A_228, %swap3A_229], %swap3A_232 {strides = array<i32>} : memref<16x128xf32, #tpu.memory_space<vmem>>, vector<1x128xf32>,
    %eq3A_233 = arith.constant 11 : i32
    %eq3A_234 = vector.broadcast %eq3A_233 : i32 to vector<2000x1xi32>
    %eq3A_235 = arith.cmpi eq, %get3A_34, %eq3A_234 : vector<2000x1xi32>
    %broadcast_in_dim3A_236 = vector.shape_cast %eq3A_235 : vector<2000x1xi1> to vector<2000x1xi1>
    %broadcast_in_dim3A_237 = vector.broadcast %broadcast_in_dim3A_236 : vector<2000x1xi1> to vector<2000x128xi1>
    %select_n3A_238 = arith.select %broadcast_in_dim3A_237, %add3A_29, %broadcast_in_dim3A_35 : vector<2000x128xi1>, vector<2000x128xf32>
    %reduce_max3A_239 = arith.constant dense<0xFF800000> : vector<128xf32>
    %reduce_max3A_240 = vector.multi_reduction <maximumf>, %select_n3A_238, %reduce_max3A_239 [0] : vector<2000x128xf32> to vector<128xf32>
    %get3A_241 = arith.constant 11 : index
    %get3A_242 = arith.constant 0 : index
    %get3A_243 = vector.load %arg12[%get3A_241, %get3A_242] : memref<16x128xf32, #tpu.memory_space<vmem>>, vector<1x128xf32>
    %get3A_244 = vector.shape_cast %get3A_243 : vector<1x128xf32> to vector<128xf32>
    %max3A_245 = arith.maximumf %get3A_244, %reduce_max3A_240 : vector<128xf32>
    %swap3A_246 = arith.constant 11 : index
    %swap3A_247 = arith.constant 0 : index
    %swap3A_248 = vector.load %arg12[%swap3A_246, %swap3A_247] : memref<16x128xf32, #tpu.memory_space<vmem>>, vector<1x128xf32>
    %swap3A_249 = vector.shape_cast %swap3A_248 : vector<1x128xf32> to vector<128xf32>
    %swap3A_250 = vector.shape_cast %max3A_245 : vector<128xf32> to vector<1x128xf32>
    tpu.vector_store %arg12[%swap3A_246, %swap3A_247], %swap3A_250 {strides = array<i32>} : memref<16x128xf32, #tpu.memory_space<vmem>>, vector<1x128xf32>,
    %eq3A_251 = arith.constant 12 : i32
    %eq3A_252 = vector.broadcast %eq3A_251 : i32 to vector<2000x1xi32>
    %eq3A_253 = arith.cmpi eq, %get3A_34, %eq3A_252 : vector<2000x1xi32>
    %broadcast_in_dim3A_254 = vector.shape_cast %eq3A_253 : vector<2000x1xi1> to vector<2000x1xi1>
    %broadcast_in_dim3A_255 = vector.broadcast %broadcast_in_dim3A_254 : vector<2000x1xi1> to vector<2000x128xi1>
    %select_n3A_256 = arith.select %broadcast_in_dim3A_255, %add3A_29, %broadcast_in_dim3A_35 : vector<2000x128xi1>, vector<2000x128xf32>
    %reduce_max3A_257 = arith.constant dense<0xFF800000> : vector<128xf32>
    %reduce_max3A_258 = vector.multi_reduction <maximumf>, %select_n3A_256, %reduce_max3A_257 [0] : vector<2000x128xf32> to vector<128xf32>
    %get3A_259 = arith.constant 12 : index
    %get3A_260 = arith.constant 0 : index
    %get3A_261 = vector.load %arg12[%get3A_259, %get3A_260] : memref<16x128xf32, #tpu.memory_space<vmem>>, vector<1x128xf32>
    %get3A_262 = vector.shape_cast %get3A_261 : vector<1x128xf32> to vector<128xf32>
    %max3A_263 = arith.maximumf %get3A_262, %reduce_max3A_258 : vector<128xf32>
    %swap3A_264 = arith.constant 12 : index
    %swap3A_265 = arith.constant 0 : index
    %swap3A_266 = vector.load %arg12[%swap3A_264, %swap3A_265] : memref<16x128xf32, #tpu.memory_space<vmem>>, vector<1x128xf32>
    %swap3A_267 = vector.shape_cast %swap3A_266 : vector<1x128xf32> to vector<128xf32>
    %swap3A_268 = vector.shape_cast %max3A_263 : vector<128xf32> to vector<1x128xf32>
    tpu.vector_store %arg12[%swap3A_264, %swap3A_265], %swap3A_268 {strides = array<i32>} : memref<16x128xf32, #tpu.memory_space<vmem>>, vector<1x128xf32>,
    %eq3A_269 = arith.constant 13 : i32
    %eq3A_270 = vector.broadcast %eq3A_269 : i32 to vector<2000x1xi32>
    %eq3A_271 = arith.cmpi eq, %get3A_34, %eq3A_270 : vector<2000x1xi32>
    %broadcast_in_dim3A_272 = vector.shape_cast %eq3A_271 : vector<2000x1xi1> to vector<2000x1xi1>
    %broadcast_in_dim3A_273 = vector.broadcast %broadcast_in_dim3A_272 : vector<2000x1xi1> to vector<2000x128xi1>
    %select_n3A_274 = arith.select %broadcast_in_dim3A_273, %add3A_29, %broadcast_in_dim3A_35 : vector<2000x128xi1>, vector<2000x128xf32>
    %reduce_max3A_275 = arith.constant dense<0xFF800000> : vector<128xf32>
    %reduce_max3A_276 = vector.multi_reduction <maximumf>, %select_n3A_274, %reduce_max3A_275 [0] : vector<2000x128xf32> to vector<128xf32>
    %get3A_277 = arith.constant 13 : index
    %get3A_278 = arith.constant 0 : index
    %get3A_279 = vector.load %arg12[%get3A_277, %get3A_278] : memref<16x128xf32, #tpu.memory_space<vmem>>, vector<1x128xf32>
    %get3A_280 = vector.shape_cast %get3A_279 : vector<1x128xf32> to vector<128xf32>
    %max3A_281 = arith.maximumf %get3A_280, %reduce_max3A_276 : vector<128xf32>
    %swap3A_282 = arith.constant 13 : index
    %swap3A_283 = arith.constant 0 : index
    %swap3A_284 = vector.load %arg12[%swap3A_282, %swap3A_283] : memref<16x128xf32, #tpu.memory_space<vmem>>, vector<1x128xf32>
    %swap3A_285 = vector.shape_cast %swap3A_284 : vector<1x128xf32> to vector<128xf32>
    %swap3A_286 = vector.shape_cast %max3A_281 : vector<128xf32> to vector<1x128xf32>
    tpu.vector_store %arg12[%swap3A_282, %swap3A_283], %swap3A_286 {strides = array<i32>} : memref<16x128xf32, #tpu.memory_space<vmem>>, vector<1x128xf32>,
    %eq3A_287 = arith.constant 14 : i32
    %eq3A_288 = vector.broadcast %eq3A_287 : i32 to vector<2000x1xi32>
    %eq3A_289 = arith.cmpi eq, %get3A_34, %eq3A_288 : vector<2000x1xi32>
    %broadcast_in_dim3A_290 = vector.shape_cast %eq3A_289 : vector<2000x1xi1> to vector<2000x1xi1>
    %broadcast_in_dim3A_291 = vector.broadcast %broadcast_in_dim3A_290 : vector<2000x1xi1> to vector<2000x128xi1>
    %select_n3A_292 = arith.select %broadcast_in_dim3A_291, %add3A_29, %broadcast_in_dim3A_35 : vector<2000x128xi1>, vector<2000x128xf32>
    %reduce_max3A_293 = arith.constant dense<0xFF800000> : vector<128xf32>
    %reduce_max3A_294 = vector.multi_reduction <maximumf>, %select_n3A_292, %reduce_max3A_293 [0] : vector<2000x128xf32> to vector<128xf32>
    %get3A_295 = arith.constant 14 : index
    %get3A_296 = arith.constant 0 : index
    %get3A_297 = vector.load %arg12[%get3A_295, %get3A_296] : memref<16x128xf32, #tpu.memory_space<vmem>>, vector<1x128xf32>
    %get3A_298 = vector.shape_cast %get3A_297 : vector<1x128xf32> to vector<128xf32>
    %max3A_299 = arith.maximumf %get3A_298, %reduce_max3A_294 : vector<128xf32>
    %swap3A_300 = arith.constant 14 : index
    %swap3A_301 = arith.constant 0 : index
    %swap3A_302 = vector.load %arg12[%swap3A_300, %swap3A_301] : memref<16x128xf32, #tpu.memory_space<vmem>>, vector<1x128xf32>
    %swap3A_303 = vector.shape_cast %swap3A_302 : vector<1x128xf32> to vector<128xf32>
    %swap3A_304 = vector.shape_cast %max3A_299 : vector<128xf32> to vector<1x128xf32>
    tpu.vector_store %arg12[%swap3A_300, %swap3A_301], %swap3A_304 {strides = array<i32>} : memref<16x128xf32, #tpu.memory_space<vmem>>, vector<1x128xf32>,
    %eq3A_305 = arith.constant 15 : i32
    %eq3A_306 = vector.broadcast %eq3A_305 : i32 to vector<2000x1xi32>
    %eq3A_307 = arith.cmpi eq, %get3A_34, %eq3A_306 : vector<2000x1xi32>
    %broadcast_in_dim3A_308 = vector.shape_cast %eq3A_307 : vector<2000x1xi1> to vector<2000x1xi1>
    %broadcast_in_dim3A_309 = vector.broadcast %broadcast_in_dim3A_308 : vector<2000x1xi1> to vector<2000x128xi1>
    %select_n3A_310 = arith.select %broadcast_in_dim3A_309, %add3A_29, %broadcast_in_dim3A_35 : vector<2000x128xi1>, vector<2000x128xf32>
    %reduce_max3A_311 = arith.constant dense<0xFF800000> : vector<128xf32>
    %reduce_max3A_312 = vector.multi_reduction <maximumf>, %select_n3A_310, %reduce_max3A_311 [0] : vector<2000x128xf32> to vector<128xf32>
    %get3A_313 = arith.constant 15 : index
    %get3A_314 = arith.constant 0 : index
    %get3A_315 = vector.load %arg12[%get3A_313, %get3A_314] : memref<16x128xf32, #tpu.memory_space<vmem>>, vector<1x128xf32>
    %get3A_316 = vector.shape_cast %get3A_315 : vector<1x128xf32> to vector<128xf32>
    %max3A_317 = arith.maximumf %get3A_316, %reduce_max3A_312 : vector<128xf32>
    %swap3A_318 = arith.constant 15 : index
    %swap3A_319 = arith.constant 0 : index
    %swap3A_320 = vector.load %arg12[%swap3A_318, %swap3A_319] : memref<16x128xf32, #tpu.memory_space<vmem>>, vector<1x128xf32>
    %swap3A_321 = vector.shape_cast %swap3A_320 : vector<1x128xf32> to vector<128xf32>
    %swap3A_322 = vector.shape_cast %max3A_317 : vector<128xf32> to vector<1x128xf32>
    tpu.vector_store %arg12[%swap3A_318, %swap3A_319], %swap3A_322 {strides = array<i32>} : memref<16x128xf32, #tpu.memory_space<vmem>>, vector<1x128xf32>,
    %eq3A_323 = arith.constant 4 : i32
    %eq3A_324 = arith.cmpi eq, %arg0, %eq3A_323 : i32
    %convert_element_type3A_325 = arith.extui %eq3A_324 : i1 to i32
    %cond3A_326 = arith.constant 0 : i32
    %cond3A_327 = arith.cmpi ne, %convert_element_type3A_325, %cond3A_326 : i32
    scf.if %cond3A_327 {
      %get3A_328 = arith.constant 0 : index
      %get3A_329 = arith.constant 0 : index
      %get3A_330 = vector.load %arg12[%get3A_328, %get3A_329] : memref<16x128xf32, #tpu.memory_space<vmem>>, vector<16x128xf32>
      %get3A_331 = arith.constant 0 : index
      %get3A_332 = arith.constant 0 : index
      %get3A_333 = vector.load %arg7[%get3A_331, %get3A_332] : memref<128x5xf32, #tpu.memory_space<vmem>>, vector<128x5xf32>
      %convert_element_type3A_334 = arith.truncf %get3A_330 : vector<16x128xf32> to vector<16x128xbf16>
      %convert_element_type3A_335 = arith.truncf %get3A_333 : vector<128x5xf32> to vector<128x5xbf16>
      %dot_general3A_336 = arith.constant dense<0.000000e+00> : vector<16x5xf32>
      %dot_general3A_337 = tpu.matmul %convert_element_type3A_334, %convert_element_type3A_335, %dot_general3A_336 {dimension_numbers = #tpu.dot_dimension_numbers<[1], [0], [0], [1], [0, 0, 1, 1], [], []>, transpose_lhs_hint = false} : vector<16x128xbf16>, vector<128x5xbf16>, vector<16x5xf32> -> vector<16x5xf32>
      %get3A_338 = arith.constant 0 : index
      %get3A_339 = arith.constant 0 : index
      %get3A_340 = vector.load %arg8[%get3A_338, %get3A_339] : memref<1x5xf32, #tpu.memory_space<vmem>>, vector<1x5xf32>
      %add3A_341 = vector.broadcast %get3A_340 : vector<1x5xf32> to vector<16x5xf32>
      %add3A_342 = arith.addf %dot_general3A_337, %add3A_341 : vector<16x5xf32>
      %max3A_343 = arith.constant 0.000000e+00 : f32
      %max3A_344 = vector.broadcast %max3A_343 : f32 to vector<16x5xf32>
      %max3A_345 = arith.maximumf %add3A_342, %max3A_344 : vector<16x5xf32>
      %get3A_346 = arith.constant 0 : index
      %get3A_347 = arith.constant 0 : index
      %get3A_348 = vector.load %arg9[%get3A_346, %get3A_347] : memref<5x1xf32, #tpu.memory_space<vmem>>, vector<5x1xf32>
      %convert_element_type3A_349 = arith.truncf %max3A_345 : vector<16x5xf32> to vector<16x5xbf16>
      %convert_element_type3A_350 = arith.truncf %get3A_348 : vector<5x1xf32> to vector<5x1xbf16>
      %dot_general3A_351 = arith.constant dense<0.000000e+00> : vector<16x1xf32>
      %dot_general3A_352 = tpu.matmul %convert_element_type3A_349, %convert_element_type3A_350, %dot_general3A_351 {dimension_numbers = #tpu.dot_dimension_numbers<[1], [0], [0], [1], [0, 0, 1, 1], [], []>, transpose_lhs_hint = false} : vector<16x5xbf16>, vector<5x1xbf16>, vector<16x1xf32> -> vector<16x1xf32>
      %get3A_353 = arith.constant 0 : index
      %get3A_354 = arith.constant 0 : index
      %get3A_355 = vector.load %arg10[%get3A_353, %get3A_354] : memref<1x1xf32, #tpu.memory_space<vmem>>, vector<1x1xf32>
      %add3A_356 = vector.broadcast %get3A_355 : vector<1x1xf32> to vector<16x1xf32>
      %add3A_357 = arith.addf %dot_general3A_352, %add3A_356 : vector<16x1xf32>
      %swap3A_358 = arith.constant 0 : index
      %swap3A_359 = arith.constant 0 : index
      %swap3A_360 = vector.load %arg11[%swap3A_358, %swap3A_359] : memref<16x1xf32, #tpu.memory_space<vmem>>, vector<16x1xf32>
      tpu.vector_store %arg11[%swap3A_358, %swap3A_359], %add3A_357 {strides = array<i32>} : memref<16x1xf32, #tpu.memory_space<vmem>>, vector<16x1xf32>,
    } else {
    }
    return
  }
  func.func @transform_0(%arg0: i32) -> (i32, i32, i32) {
    %c0_i32 = arith.constant 0 : i32
    %c0_i32_0 = arith.constant 0 : i32
    %c0_i32_1 = arith.constant 0 : i32
    return %c0_i32, %arg0, %c0_i32_0 : i32, i32, i32
  }
  func.func @transform_1(%arg0: i32) -> (i32, i32) {
    %c0_i32 = arith.constant 0 : i32
    %c0_i32_0 = arith.constant 0 : i32
    return %arg0, %c0_i32 : i32, i32
  }
  func.func @transform_2(%arg0: i32) -> (i32, i32) {
    %c0_i32 = arith.constant 0 : i32
    %c0_i32_0 = arith.constant 0 : i32
    %c0_i32_1 = arith.constant 0 : i32
    return %c0_i32, %c0_i32_0 : i32, i32
  }
  func.func @transform_3(%arg0: i32) -> (i32, i32) {
    %c0_i32 = arith.constant 0 : i32
    %c0_i32_0 = arith.constant 0 : i32
    %c0_i32_1 = arith.constant 0 : i32
    return %c0_i32, %c0_i32_0 : i32, i32
  }
  func.func @transform_4(%arg0: i32) -> (i32, i32) {
    %c0_i32 = arith.constant 0 : i32
    %c0_i32_0 = arith.constant 0 : i32
    %c0_i32_1 = arith.constant 0 : i32
    return %c0_i32, %c0_i32_0 : i32, i32
  }
  func.func @transform_5(%arg0: i32) -> (i32, i32, i32) {
    %c0_i32 = arith.constant 0 : i32
    %c0_i32_0 = arith.constant 0 : i32
    %c0_i32_1 = arith.constant 0 : i32
    return %arg0, %c0_i32, %c0_i32_0 : i32, i32, i32
  }
  func.func @transform_6(%arg0: i32) -> (i32, i32) {
    %c0_i32 = arith.constant 0 : i32
    %c0_i32_0 = arith.constant 0 : i32
    %c0_i32_1 = arith.constant 0 : i32
    return %c0_i32, %c0_i32_0 : i32, i32
  }
  func.func @transform_7(%arg0: i32) -> (i32, i32) {
    %c0_i32 = arith.constant 0 : i32
    %c0_i32_0 = arith.constant 0 : i32
    %c0_i32_1 = arith.constant 0 : i32
    return %c0_i32, %c0_i32_0 : i32, i32
  }
  func.func @transform_8(%arg0: i32) -> (i32, i32) {
    %c0_i32 = arith.constant 0 : i32
    %c0_i32_0 = arith.constant 0 : i32
    %c0_i32_1 = arith.constant 0 : i32
    return %c0_i32, %c0_i32_0 : i32, i32
  }
  func.func @transform_9(%arg0: i32) -> (i32, i32) {
    %c0_i32 = arith.constant 0 : i32
    %c0_i32_0 = arith.constant 0 : i32
    %c0_i32_1 = arith.constant 0 : i32
    return %c0_i32, %c0_i32_0 : i32, i32
  }
  func.func @transform_10(%arg0: i32) -> (i32, i32) {
    %c0_i32 = arith.constant 0 : i32
    %c0_i32_0 = arith.constant 0 : i32
    %c0_i32_1 = arith.constant 0 : i32
    return %c0_i32, %c0_i32_0 : i32, i32
  }
}

</mosaic_0001>

<sc_bundles>
// kernel: kernel.11.cloned.1.call-start
scs
__scs_entry_jumppad:
0x0: {  	(pc) =	sbr.rel $0x88, $3  }
0x1: {  	(tag) =	ssettag $0x0;
	lr =	simm.s32 $0x1  }
0x2: {  	[smem:$0x3F91] =	sst lr;
	_ =	strace $0xD0000000  }
0x3: {  	_ = 	snop  }
0x4: {  	_ = 	snop  }
0x5: {  	_ = 	snop  }
0x6: {  	_ = 	snop  }
0x7: {  	_ = 	snop  }
__scs_overlays_trampoline_lowered:
0x8: {  	[smem:$0x3FA0] =	sst s0  }
0x9: {  	[smem:$0x3FA1] =	sst s1  }
0xa: {  	[smem:$0x3FA2] =	sst s2  }
0xb: {  	[smem:$0x3FA3] =	sst s3  }
0xc: {  	[smem:$0x3FA4] =	sst s4  }
0xd: {  	[smem:$0x3FA5] =	sst s5  }
0xe: {  	[smem:$0x3FA6] =	sst s6  }
0xf: {  	[smem:$0x3FA7] =	sst s7  }
0x10: {  	[smem:$0x3FA8] =	sst s8  }
0x11: {  	[smem:$0x3FA9] =	sst s9;
	s0 =	simm.s32 @!p0 $0x0  }
0x12: {  	s1 =	sld [smem:$0x3F8F];
	s0 =	simm.s32 @p0 $0x1  }
0x13: {  	[smem:$0x3FAA] =	sst s0;
	s0 =	simm.s32 @!p1 $0x0  }
0x14: {  	s2 =	sld [smem:$0x3F8E];
	s0 =	simm.s32 @p1 $0x1  }
0x15: {  	[smem:$0x3FAB] =	sst s0;
	s0 =	simm.s32 @!p2 $0x0  }
0x16: {  	s3 =	sld [smem:$0x3FDB];
	s0 =	simm.s32 @p2 $0x1  }
0x17: {  	s4 =	simm.s32 $0x1BF5;
	[smem:$0x3FAD] =	sst s0  }
0x18: {  	s0 =	sld [smem:$0x3F90];
	_ =	swait.ge [sflag:s4], $0x0  }
0x19: {  	s7 =	sld [smem:$0x3F91]  }
0x1a: {  	s8 =	sadd.s32 $0xFFFFE003, lr  }
0x1b: {  	s9 =	sadd.s32 $0xFFFFFEF7, lr;
	s5 =	simm.s32 $0xFFFFFFFF;
	p2 =	slt.u32 s8, $0xFFFFF086  }
0x1c: {  	p1 =	slt.u32 s9, $0xF7A;
	s5 =	simm.s32 @!p2 $0x0  }
0x1d: {  	s5 =	simm.s32 @p1 $0x1;
	p0 =	seq.s32 s7, s2  }
0x1e: {  	s7 =	smul.u32 @!p0 $0xF7A, s2;
	p2 =	seq.s32 @!p0 s5, $0x0  }
0x1f: {  	s9 =	smul.u32 $0xF7A, s1;
	s8 =	simm.s32 @!p0 $0x1BF5;
	p2 =	por !p2, p0  }
0x20: {  	[sflag:s8] =	ssyncset.s32 @!p0 $0xFFFFF086;
	s6 =	sadd.s32 @!p0 s3, s7;
	s7 =	simm.s32 @!p0 $0x108  }
0x21: {  	s3 =	sadd.s32 s3, s9;
	s6 =	sadd.s32 @!p0 $0x88, s6;
	s7 =	simm.s32 @p2 $0x1082  }
0x22: {  	[simem:s7], [sflag:s8] =	dma.local @!p0 [hbm:s6], $0xF7A  }
0x23: {  	s9 =	sor.u32 $0xD0000000, s2;
	s6 =	simm.s32 $0x108;
	_ =	swait.ge @!p0 [sflag:s8], $0x0  }
0x24: {  	s3 =	sadd.s32 $0x88, s3;
	s6 =	simm.s32 @!p1 $0x1082;
	[sflag:s4] =	ssyncset.s32 $0xFFFFF086  }
0x25: {  	[simem:s6], [sflag:s4] =	dma.local [hbm:s3], $0xF7A  }
0x26: {  	[smem:$0x3F91] =	sst s1;
	(tag) =	ssettag s2;
	_ =	strace s9  }
0x27: {  	s1 =	sld [smem:$0x3FA1]  }
0x28: {  	s2 =	sld [smem:$0x3FA2]  }
0x29: {  	s4 =	sld [smem:$0x3FA4]  }
0x2a: {  	p0 =	seq.s32 s5, $0x0;
	s5 =	sld [smem:$0x3FA5]  }
0x2b: {  	s6 =	sld [smem:$0x3FA6]  }
0x2c: {  	s7 =	sld [smem:$0x3FA7]  }
0x2d: {  	s3 =	simm.s32 $0x108;
	s8 =	sld [smem:$0x3FA8]  }
0x2e: {  	s3 =	simm.s32 @!p0 $0x1082;
	s9 =	sld [smem:$0x3FA9]  }
0x2f: {  	lr =	sadd.s32 s0, s3;
	s0 =	sld [smem:$0x3FA0]  }
0x30: {  	s3 =	sld [smem:$0x3FA3]  }
0x31: {  	[smem:$0x3FAC] =	sst s10  }
0x32: {  	s10 =	sld [smem:$0x3FAA];
	_ =	sdelay $0x3  }
0x33: {  	p0 =	seq.s32 s10, $0x1;
	s10 =	sld [smem:$0x3FAC];
	_ =	sdelay $0x3  }
0x34: {  	[smem:$0x3FAC] =	sst s10  }
0x35: {  	s10 =	sld [smem:$0x3FAB];
	_ =	sdelay $0x3  }
0x36: {  	p1 =	seq.s32 s10, $0x1;
	s10 =	sld [smem:$0x3FAC];
	_ =	sdelay $0x3  }
0x37: {  	[smem:$0x3FAC] =	sst s10  }
0x38: {  	s10 =	sld [smem:$0x3FAD]  }
0x39: {  	_ = 	snop;
	(pc) =	sbr.ind lr, $3  }
0x3a: {  	_ = 	snop  }
0x3b: {  	_ = 	snop  }
0x3c: {  	p2 =	seq.s32 s10, $0x1;
	s10 =	sld [smem:$0x3FAC]  }
0x3d: {  	_ =	shalt  }
0x3e: {  	_ =	shalt  }
0x3f: {  	_ =	shalt  }
0x40: {  	_ =	shalt  }
0x41: {  	_ =	shalt  }
0x42: {  	_ =	shalt  }
0x43: {  	_ =	shalt  }
0x44: {  	_ =	shalt  }
0x45: {  	_ =	shalt  }
0x46: {  	_ =	shalt  }
0x47: {  	_ =	shalt  }
0x48: {  	_ =	shalt  }
0x49: {  	_ =	shalt  }
0x4a: {  	_ =	shalt  }
0x4b: {  	_ =	shalt  }
0x4c: {  	_ =	shalt  }
0x4d: {  	_ =	shalt  }
0x4e: {  	_ =	shalt  }
0x4f: {  	_ =	shalt  }
0x50: {  	_ =	shalt  }
0x51: {  	_ =	shalt  }
0x52: {  	_ =	shalt  }
0x53: {  	_ =	shalt  }
0x54: {  	_ =	shalt  }
0x55: {  	_ =	shalt  }
0x56: {  	_ =	shalt  }
0x57: {  	_ =	shalt  }
0x58: {  	_ =	shalt  }
0x59: {  	_ =	shalt  }
0x5a: {  	_ =	shalt  }
0x5b: {  	_ =	shalt  }
0x5c: {  	_ =	shalt  }
0x5d: {  	_ =	shalt  }
0x5e: {  	_ =	shalt  }
0x5f: {  	_ =	shalt  }
0x60: {  	_ =	shalt  }
0x61: {  	_ =	shalt  }
0x62: {  	_ =	shalt  }
0x63: {  	_ =	shalt  }
0x64: {  	_ =	shalt  }
0x65: {  	_ =	shalt  }
0x66: {  	_ =	shalt  }
0x67: {  	_ =	shalt  }
0x68: {  	_ =	shalt  }
0x69: {  	_ =	shalt  }
0x6a: {  	_ =	shalt  }
0x6b: {  	_ =	shalt  }
0x6c: {  	_ =	shalt  }
0x6d: {  	_ =	shalt  }
0x6e: {  	_ =	shalt  }
0x6f: {  	_ =	shalt  }
0x70: {  	_ =	shalt  }
0x71: {  	_ =	shalt  }
0x72: {  	_ =	shalt  }
0x73: {  	_ =	shalt  }
0x74: {  	_ =	shalt  }
0x75: {  	_ =	shalt  }
0x76: {  	_ =	shalt  }
0x77: {  	_ =	shalt  }
0x78: {  	_ =	shalt  }
0x79: {  	_ =	shalt  }
0x7a: {  	_ =	shalt  }
0x7b: {  	_ =	shalt  }
0x7c: {  	_ =	shalt  }
0x7d: {  	_ =	shalt  }
0x7e: {  	_ =	shalt  }
0x7f: {  	_ =	shalt  }
0x80: {  	_ =	shalt  }
0x81: {  	_ =	shalt  }
0x82: {  	_ =	shalt  }
0x83: {  	_ =	shalt  }
0x84: {  	_ =	shalt  }
0x85: {  	_ =	shalt  }
0x86: {  	_ =	shalt  }
0x87: {  	_ =	shalt  }
.Lfunc_end0:
.L_simem_size_0:
called_computation.1_lowered:
.L_overlay_start_0:
0x88: {  	s2 =	sld [smem:$0x3FD9]  }
0x89: {  	s3 =	sld [smem:$0x3FFE];
	_ =	sdelay $0x1  }
0x8a: {  	s1 =	srdreg.scid  }
0x8b: {  	s0 =	sand.u32 $0x1, s1  }
0x8c: {  	s16 =	sshll.u32 s0, $0xA;
	s2 =	sadd.s32 s3, s2  }
0x8d: {  	s2 =	sadd.s32 s2, s16  }
0x8e: {  	[smem:$0x3FB8] =	sst s2  }
0x8f: {  	_ = 	snop  }
0x90: {  	(tm) =	ssettm $0x1  }
0x91: {  	s17 =	sld [smem:$0x3FFB];
	_ =	sdelay $0x3  }
0x92: {  	_ =	strace s17  }
0x93: {  	s2 =	sld [smem:$0x3FFC];
	_ =	sdelay $0x3  }
0x94: {  	_ =	strace s2  }
0x95: {  	s2 =	sld [smem:$0x3FFD];
	_ =	sdelay $0x3  }
0x96: {  	_ =	strace s2  }
0x97: {  	_ =	strace $0x8FFFFFFF  }
0x98: {  	s18 =	sld [smem:$0x3FDB];
	_ =	sdelay $0x1  }
0x99: {  	s19 =	simm.s32 $_scs_section_size  }
0x9a: {  	s4 =	simm.s32 $_size__tile_overlayer_lowered;
	s5 =	simm.s32 $_tile_overlayer_lowered  }
0x9b: {  	s22 =	simm.s32 $0x1BFF;
	s21 =	sshll.u32 s5, $0x1;
	s2 =	sadd.s32 s19, s18  }
0x9c: {  	s6 =	simm.s32 $0x0;
	s20 =	sshll.u32 s4, $0x1;
	s4 =	sadd.s32 s21, s2  }
0x9d: {  	[timem:s6], [sflag:s22] =	dma.local [hbm:s4], s20  }
0x9e: {  	_ =	swait.ge [sflag:s22], s20  }
0x9f: {  	s3 =	ssub.s32 $0x0, s20;
	[sflag:s22] =	ssyncset.done $0x0  }
0xa0: {  	[sflag:s22] =	ssyncadd.s32 s3;
	_ =	sdelay $0x1  }
0xa1: {  	s23 =	simm.s32 $0x1B8B  }
0xa2: {  	_ =	swait.ge [sflag:s23], $0x1  }
0xa3: {  	[sflag:s23] =	ssyncset.done $0x0  }
0xa4: {  	s25 =	simm.s32 $0x1B8E;
	s24 =	sld [smem:$0x3FFE];
	[sflag:s23] =	ssyncadd.s32 $0xFFFFFFFF  }
0xa5: {  	s26 =	simm.s32 $execute0_lowered;
	[smem:$0x3FD2] =	sst s25  }
0xa6: {  	s4 =	sshll.u32 s26, $0x1;
	_ =	strace $0x80000049;
	[dreg:$0x1] =	wrdreg $0xFFFFFFFF  }
0xa7: {  	s28 =	simm.s32 $_size_execute0_lowered;
	s2 =	sadd.s32 s2, s4;
	[dreg:$0x0] =	wrdreg $0x0  }
0xa8: {  	s4 =	sshll.u32 s28, $0x1;
	[dreg:$0x2] =	wrdreg s2  }
0xa9: {  	[dreg:$0x3] =	wrdreg s4  }
0xaa: {  	[dreg:$0x4] =	wrdreg $0xC0  }
0xab: {  	_ =	task [dreg:s6], $0x5FFFF  }
0xac: {  	[dreg:$0x1] =	wrdreg $0xFFFFFFFF  }
0xad: {  	[dreg:$0x0] =	wrdreg $0x60  }
0xae: {  	[dreg:$0x2] =	wrdreg s24  }
0xaf: {  	[dreg:$0x3] =	wrdreg $0xB7800  }
0xb0: {  	[dreg:$0x4] =	wrdreg $0x9  }
0xb1: {  	_ =	task.clear_ibuf [dreg:s6], $0x5FFFF;
	_ =	strace $0x90000049  }
0xb2: {  	s29 =	simm.s32 $0x9;
	_ =	strace $0x8000004B  }
0xb3: {  	_ =	swait.ge [sflag:s29], $0x1  }
0xb4: {  	[sflag:s29] =	ssyncadd.s32 $0xFFFFFFFF  }
0xb5: {  	_ =	strace $0x9000004B  }
0xb6: {  	_ =	sfence  }
0xb7: {  	s30 =	sld [smem:$0x0];
	_ =	sdelay $0x2  }
0xb8: {  	s31 =	sshll.u32 s1, $0xD;
	s1 =	sshrl.u32 s1, $0x2  }
0xb9: {  	s3 =	sand.u32 $0x4000, s31;
	s1 =	sadd.s32 s1, s30  }
0xba: {  	s0 =	sor.u32 s3, s0;
	s1 =	sshll.u32 s1, $0x11  }
0xbb: {  	s0 =	sor.u32 s1, s0  }
0xbc: {  	s0 =	sadd.s32 $0x8F2B, s0  }
0xbd: {  	[sflag:s0] =	ssyncadd.remote.s32 $0x1  }
0xbe: {  	_ =	sfence.sel $0xFFFF  }
0xbf: {  	[dreg:$0x0] =	wrdreg $0xFFFFFFFF;
	(pc) =	sbr.abs _section_cstart, $3  }
0xc0: {  	[dreg:$0x1] =	wrdreg $0xFFFFFFFF  }
0xc1: {  	_ =	task.clear_ibuf [dreg:s6], $0x2FFFF;
	_ =	strace $0x9FFFFFFF  }
0xc2: {  	(tm) =	ssettm $0x7FFFFFFF  }
0xc3: {  	_ =	shalt  }
tec
execute0_lowered:
.L_overlay_start_1:
0x0: {  	(tag) =	ssettag $0x1  }
0x1: {  	s7 =	rddreg [dreg:$0x0]  }
0x2: {  	s0 =	srdreg.scid;
	s2 =	rddreg [dreg:$0x1]  }
0x3: {  	s3 =	simm.s32 $0x0;
	s15 =	simm.s32 $0x50;
	s16 =	simm.s32 $0x6780  }
0x4: {  	s20 =	simm.s32 $0x8F80;
	s21 =	simm.s32 $0x1;
	s22 =	simm.s32 $0x2  }
0x5: {  	s23 =	simm.s32 $0x6580;
	s24 =	simm.s32 $0x0;
	s5 =	sand.u32 $0x1, s0  }
0x6: {  	s0 =	stileid.u32;
	[smem:$0x7FF] =	sst s3;
	s14 =	sadd.s32 $0x46C00, s7  }
0x7: {  	s19 =	sadd.s32 $0x138000, s2;
	s1 =	sshll.u32 s5, $0x4;
	s9 =	smul.u32 $0x4E000, s0  }
0x8: {  	s8 =	sshll.u32 s0, $0x7;
	s26 =	ssub.s32 $0x2, s5;
	s11 =	smul.u32 $0x138800, s5  }
0x9: {  	s5 =	sadd.s32 $0x1D200, s7;
	s13 =	smul.u32 $0x13800, s0;
	p0 =	sne.s32 s0, $0xF  }
0xa: {  	s17 =	sshll.u32 s0, $0x6;
	s6 =	sor.u32 s0, s1;
	s8 =	sand.u32 $0x380, s8  }
0xb: {  	s12 =	sshrl.u32 s26, $0x1;
	s17 =	sor.u32 $0x1C03, s17;
	s19 =	sshrl.u32 @!p0 s19, $0x3  }
0xc: {  	s1 =	sshrl.u32 s6, $0x3;
	s6 =	sshll.u32 s6, $0xB;
	s12 =	ssub.s32 s26, s12  }
0xd: {  	s28 =	sshrl.u32 s9, $0x2;
	s29 =	sadd.s32 s13, s11;
	s31 =	sshrl.u32 s11, $0x3  }
0xe: {  	s11 =	simm.s32 $0x80;
	s13 =	simm.s32 $0x3;
	s4 =	smul.u32 $0x13C00, s1  }
0xf: {  	s1 =	rddreg [dreg:$0x2];
	_ =	strace $0x8000004A;
	s10 =	sadd.s32 s6, s7  }
0x10: {  	s18 =	sadd.s32 s28, s2;
	s9 =	sadd.s32 s14, s31;
	s8 =	sor.u32 s8, s4  }
0x11: {  	s30 =	sshrl.u32 s29, $0x3;
	s9 =	sadd.s32 $0x27000, s9;
	s8 =	sshrl.u32 s8, $0x3  }
0x12: {  	s18 =	sshrl.u32 s18, $0x3;
	s4 =	sadd.s32 $0x1FA00, s7;
	s8 =	sadd.s32 s8, s7  }
0x13: {  	s7 =	sadd.s32 $0x3400, s10;
	s10 =	smax.u32 s12, $0x1;
	s12 =	simm.s32 $0x400  }
0x14: {  	s6 =	sadd.s32 $0x13400, s8;
	s8 =	sadd.s32 s14, s30;
	s14 =	simm.s32 $0x2780  }
.LBB2_1:
0x15: {  	[tilespmem:s3], [sflag:$0x3] =	stream.strided.gather [hbm4b:s6+s11], $0x2780, s12, s11, $0x38;
	[tilespmem:$0x1F000] =	vst v63  }
0x16: {  	_ =	swait.ge [sflag:s13], $0x2780  }
0x17: {  	[sflag:s13] =	ssyncset.done $0x0  }
0x18: {  	[sflag:s13] =	ssyncadd.s32 $0xFFFFD880  }
0x19: {  	[tilespmem:s14], [sflag:$0x3] =	stream.linear.gather [hbm4b:s7+s3], $0x3E80, $0x38;
	[tilespmem:$0x1F000] =	vst v63  }
0x1a: {  	_ =	swait.ge [sflag:s13], $0x3E80  }
0x1b: {  	[sflag:s13] =	ssyncset.done $0x0  }
0x1c: {  	[sflag:s13] =	ssyncadd.s32 $0xFFFFC180  }
0x1d: {  	[tilespmem:s16], [sflag:$0x1] =	stream.indirect.gather [hbm4b:s4+s15], $0x80, s3, s15, $0xb8;
	[tilespmem:$0x1F000] =	vst v63  }
0x1e: {  	[spmem:s18], [sflag:s17] =	dma.local [hbm:s5], $0x2700  }
0x1f: {  	_ =	swait.ge [sflag:s13], $0x2700  }
0x20: {  	[sflag:s13] =	ssyncset.done $0x0  }
0x21: {  	s25 =	simm.s32 @!p0 $0x3;
	[sflag:s13] =	ssyncadd.s32 $0xFFFFD900  }
0x22: {  	[spmem:s19], [sflag:s17] =	dma.local @!p0 [hbm:s5], $0x100  }
0x23: {  	_ =	swait.ge @!p0 [sflag:s25], $0x100  }
0x24: {  	[sflag:s25] =	ssyncset.done @!p0 $0x0  }
0x25: {  	[sflag:s25] =	ssyncadd.s32 @!p0 $0xFFFFFF00  }
0x26: {  	s26 =	simm.s32 $0x50;
	[bflag:$0x0] =	sbarrier.arrive $0xFFFF  }
0x27: {  	[tilespmem:s20], [sflag:$0x2] =	stream.indirect.gather [hbm4b:s4+s15], $0x80, s26, s15, $0xb8;
	[tilespmem:$0x1F000] =	vst v63  }
0x28: {  	_ =	swait.ge [sflag:s21], $0x2800  }
0x29: {  	[sflag:s21] =	ssyncset.done $0x0  }
0x2a: {  	s29 =	simm.s32 $0x2780;
	[sflag:s21] =	ssyncadd.s32 $0xFFFFD800  }
0x2b: {  	[spmem:s2] =	stream.indirect.scatter.add.f32 [tilespmem:s16], [sflag:$0x3], $0x80, s29, s15, $0xb8;
	[tilespmem:$0x1F000] =	vst v63  }
0x2c: {  	_ =	swait.ge [sflag:s13], $0x2800  }
0x2d: {  	[sflag:s13] =	ssyncset.done $0x0  }
0x2e: {  	s30 =	simm.s32 $0xA0;
	[sflag:s13] =	ssyncadd.s32 $0xFFFFD800  }
0x2f: {  	[tilespmem:s16], [sflag:$0x1] =	stream.indirect.gather [hbm4b:s4+s15], $0x80, s30, s15, $0xb8;
	[tilespmem:$0x1F000] =	vst v63  }
0x30: {  	_ =	swait.ge [sflag:s22], $0x2800  }
0x31: {  	[sflag:s22] =	ssyncset.done $0x0  }
0x32: {  	s31 =	simm.s32 $0x2800;
	[sflag:s22] =	ssyncadd.s32 $0xFFFFD800  }
0x33: {  	[spmem:s2] =	stream.indirect.scatter.add.f32 [tilespmem:s20], [sflag:$0x3], $0x80, s31, s15, $0xb8;
	[tilespmem:$0x1F000] =	vst v63  }
0x34: {  	s28 =	simm.s32 $0x800;
	_ =	swait.ge [sflag:s13], $0x2800  }
0x35: {  	s25 =	simm.s32 $0x140;
	s26 =	simm.s32 $0x400;
	[sflag:s13] =	ssyncset.done $0x0  }
.LBB2_2:
0x36: {  	p1 =	sne.s32 s28, $0xF400;
	s29 =	sadd.s32 $0xFFFFFFB0, s25;
	[sflag:s13] =	ssyncadd.s32 $0xFFFFD800  }
0x37: {  	[tilespmem:s20], [sflag:$0x2] =	stream.indirect.gather [hbm4b:s4+s15], $0x80, s29, s15, $0xb8;
	[tilespmem:$0x1F000] =	vst v63  }
0x38: {  	s29 =	smov.u32 s28;
	s28 =	sadd.s32 $0x400, s28;
	_ =	swait.ge [sflag:s21], $0x2800  }
0x39: {  	s30 =	sshra.s32 s26, $0x2;
	s26 =	smov.u32 s29;
	[sflag:s21] =	ssyncset.done $0x0  }
0x3a: {  	s29 =	sadd.s32 $0x2780, s30;
	[sflag:s21] =	ssyncadd.s32 $0xFFFFD800  }
0x3b: {  	[spmem:s2] =	stream.indirect.scatter.add.f32 [tilespmem:s16], [sflag:$0x3], $0x80, s29, s15, $0xb8;
	[tilespmem:$0x1F000] =	vst v63  }
0x3c: {  	_ =	swait.ge [sflag:s13], $0x2800  }
0x3d: {  	[sflag:s13] =	ssyncset.done $0x0  }
0x3e: {  	[sflag:s13] =	ssyncadd.s32 $0xFFFFD800  }
0x3f: {  	[tilespmem:s16], [sflag:$0x1] =	stream.indirect.gather [hbm4b:s4+s15], $0x80, s25, s15, $0xb8;
	[tilespmem:$0x1F000] =	vst v63  }
0x40: {  	_ =	swait.ge [sflag:s22], $0x2800  }
.Ltmp0:
0x41: {  	[sflag:s22] =	ssyncset.done $0x0;
	(pc) =	sbr.rel @p1 .LBB2_2-.Ltmp0, $4  }
0x42: {  	s29 =	sadd.s32 $0x2800, s30;
	[sflag:s22] =	ssyncadd.s32 $0xFFFFD800  }
0x43: {  	[spmem:s2] =	stream.indirect.scatter.add.f32 [tilespmem:s20], [sflag:$0x3], $0x80, s29, s15, $0xb8;
	[tilespmem:$0x1F000] =	vst v63  }
0x44: {  	_ =	swait.ge [sflag:s13], $0x2800  }
0x45: {  	s25 =	sadd.s32 $0xA0, s25;
	[sflag:s13] =	ssyncset.done $0x0  }
0x46: {  	s28 =	sadd.s32 $0xFFFFFFB0, s25;
	[sflag:s13] =	ssyncadd.s32 $0xFFFFD800  }
0x47: {  	[tilespmem:s20], [sflag:$0x2] =	stream.indirect.gather [hbm4b:s4+s15], $0x80, s28, s15, $0xb8;
	[tilespmem:$0x1F000] =	vst v63  }
0x48: {  	_ =	swait.ge [sflag:s21], $0x2800  }
0x49: {  	s26 =	sshra.s32 s26, $0x2;
	[sflag:s21] =	ssyncset.done $0x0  }
0x4a: {  	s30 =	sadd.s32 $0x2780, s26;
	[sflag:s21] =	ssyncadd.s32 $0xFFFFD800  }
0x4b: {  	[spmem:s2] =	stream.indirect.scatter.add.f32 [tilespmem:s16], [sflag:$0x3], $0x80, s30, s15, $0xb8;
	[tilespmem:$0x1F000] =	vst v63  }
0x4c: {  	_ =	swait.ge [sflag:s13], $0x2800  }
0x4d: {  	[sflag:s13] =	ssyncset.done $0x0  }
0x4e: {  	[sflag:s13] =	ssyncadd.s32 $0xFFFFD800  }
0x4f: {  	[tilespmem:s16], [sflag:$0x1] =	stream.indirect.gather [hbm4b:s4+s15], $0x80, s25, s15, $0xb8;
	[tilespmem:$0x1F000] =	vst v63  }
0x50: {  	_ =	swait.ge [sflag:s22], $0x2800  }
0x51: {  	[sflag:s22] =	ssyncset.done $0x0  }
0x52: {  	s31 =	sadd.s32 $0x2800, s26;
	[sflag:s22] =	ssyncadd.s32 $0xFFFFD800  }
0x53: {  	[spmem:s2] =	stream.indirect.scatter.add.f32 [tilespmem:s20], [sflag:$0x3], $0x80, s31, s15, $0xb8;
	[tilespmem:$0x1F000] =	vst v63  }
0x54: {  	_ =	swait.ge [sflag:s13], $0x2800  }
0x55: {  	[sflag:s13] =	ssyncset.done $0x0  }
0x56: {  	[sflag:s13] =	ssyncadd.s32 $0xFFFFD800  }
0x57: {  	_ =	swait.ge [sflag:s21], $0x2800  }
0x58: {  	[sflag:s21] =	ssyncset.done $0x0  }
0x59: {  	[sflag:s21] =	ssyncadd.s32 $0xFFFFD800  }
0x5a: {  	[spmem:s2] =	stream.indirect.scatter.add.f32 [tilespmem:s16], [sflag:$0x3], $0x80, s23, s15, $0xb8;
	[tilespmem:$0x1F000] =	vst v63  }
0x5b: {  	_ =	swait.ge [sflag:s13], $0x2800  }
0x5c: {  	[sflag:s13] =	ssyncset.done $0x0  }
0x5d: {  	[sflag:s13] =	ssyncadd.s32 $0xFFFFD800  }
0x5e: {  	[bflag:$0x0] =	sbarrier.arrive $0xFFFF  }
0x5f: {  	[hbm:s8], [sflag:s17] =	dma.local [spmem:s18], $0x2700  }
0x60: {  	s24 =	sadd.s32 $0x1, s24;
	_ =	swait.ge [sflag:s13], $0x2700  }
0x61: {  	p1 =	sne.s32 s24, s10;
	[sflag:s13] =	ssyncset.done $0x0  }
.Ltmp1:
0x62: {  	s25 =	simm.s32 @!p0 $0x3;
	[sflag:s13] =	ssyncadd.s32 $0xFFFFD900;
	(pc) =	sbr.rel @p1 .LBB2_1-.Ltmp1, $4  }
0x63: {  	[hbm:s9], [sflag:s17] =	dma.local @!p0 [spmem:s19], $0x100  }
0x64: {  	_ =	swait.ge @!p0 [sflag:s25], $0x100  }
0x65: {  	[sflag:s25] =	ssyncset.done @!p0 $0x0  }
0x66: {  	[sflag:s25] =	ssyncadd.s32 @!p0 $0xFFFFFF00  }
0x67: {  	_ =	sfence.sel $0x180000  }
0x68: {  	[bflag:$0x0] =	sbarrier.arrive $0xFFFF  }
0x69: {  	p0 =	sne.s32 s0, $0x0;
	_ =	strace $0x9000004A  }
0x6a: {  	s0 =	sadd.s32 @!p0 $0x100000, s1;
	[bflag:$0x2] =	sbarrier.arrive $0xFFFF  }
0x6b: {  	[sflag:s0] =	ssyncadd.tile.s32 @!p0 $0x1;
	_ =	shalt  }
.Lfunc_end2:
_tile_overlayer_lowered:
.L_overlay_start_2:
0x6c: {  	(tag) =	ssettag $0x2  }
0x6d: {  	s0 =	rddreg [dreg:$0x0];
	s2 =	stileid.u32  }
0x6e: {  	s1 =	rddreg [dreg:$0x1];
	p0 =	sne.s32 s2, $0x0  }
0x6f: {  	s3 =	rddreg [dreg:$0x2];
	[bflag:$0x3] =	sbarrier.arrive $0xFFFF;
	s2 =	simm.s32 @!p0 $0x1C03  }
0x70: {  	[timem:s3], [sflag:s2] =	dma.local @!p0 [hbm:s0], s1  }
0x71: {  	s0 =	simm.s32 @!p0 $0x3  }
0x72: {  	_ =	swait.ge @!p0 [sflag:s0], s1  }
0x73: {  	s1 =	ssub.s32 @!p0 $0x0, s1;
	[sflag:s0] =	ssyncset.done @!p0 $0x0  }
0x74: {  	[sflag:s0] =	ssyncadd.s32 @!p0 s1  }
0x75: {  	[bflag:$0x3] =	sbarrier.arrive $0xFFFF  }
0x76: {  	_ =	shalt  }

// kernel: kernel.14.cloned.1.call-start
scs
__scs_entry_jumppad:
0x0: {  	(pc) =	sbr.rel $0x88, $3  }
0x1: {  	(tag) =	ssettag $0x0;
	lr =	simm.s32 $0x1  }
0x2: {  	[smem:$0x3F91] =	sst lr;
	_ =	strace $0xD0000000  }
0x3: {  	_ = 	snop  }
0x4: {  	_ = 	snop  }
0x5: {  	_ = 	snop  }
0x6: {  	_ = 	snop  }
0x7: {  	_ = 	snop  }
__scs_overlays_trampoline_lowered:
0x8: {  	[smem:$0x3FA0] =	sst s0  }
0x9: {  	[smem:$0x3FA1] =	sst s1  }
0xa: {  	[smem:$0x3FA2] =	sst s2  }
0xb: {  	[smem:$0x3FA3] =	sst s3  }
0xc: {  	[smem:$0x3FA4] =	sst s4  }
0xd: {  	[smem:$0x3FA5] =	sst s5  }
0xe: {  	[smem:$0x3FA6] =	sst s6  }
0xf: {  	[smem:$0x3FA7] =	sst s7  }
0x10: {  	[smem:$0x3FA8] =	sst s8  }
0x11: {  	[smem:$0x3FA9] =	sst s9;
	s0 =	simm.s32 @!p0 $0x0  }
0x12: {  	s1 =	sld [smem:$0x3F8F];
	s0 =	simm.s32 @p0 $0x1  }
0x13: {  	[smem:$0x3FAA] =	sst s0;
	s0 =	simm.s32 @!p1 $0x0  }
0x14: {  	s2 =	sld [smem:$0x3F8E];
	s0 =	simm.s32 @p1 $0x1  }
0x15: {  	[smem:$0x3FAB] =	sst s0;
	s0 =	simm.s32 @!p2 $0x0  }
0x16: {  	s3 =	sld [smem:$0x3FDB];
	s0 =	simm.s32 @p2 $0x1  }
0x17: {  	s4 =	simm.s32 $0x1BF5;
	[smem:$0x3FAD] =	sst s0  }
0x18: {  	s0 =	sld [smem:$0x3F90];
	_ =	swait.ge [sflag:s4], $0x0  }
0x19: {  	s7 =	sld [smem:$0x3F91]  }
0x1a: {  	s8 =	sadd.s32 $0xFFFFE003, lr  }
0x1b: {  	s9 =	sadd.s32 $0xFFFFFEF7, lr;
	s5 =	simm.s32 $0xFFFFFFFF;
	p2 =	slt.u32 s8, $0xFFFFF086  }
0x1c: {  	p1 =	slt.u32 s9, $0xF7A;
	s5 =	simm.s32 @!p2 $0x0  }
0x1d: {  	s5 =	simm.s32 @p1 $0x1;
	p0 =	seq.s32 s7, s2  }
0x1e: {  	s7 =	smul.u32 @!p0 $0xF7A, s2;
	p2 =	seq.s32 @!p0 s5, $0x0  }
0x1f: {  	s9 =	smul.u32 $0xF7A, s1;
	s8 =	simm.s32 @!p0 $0x1BF5;
	p2 =	por !p2, p0  }
0x20: {  	[sflag:s8] =	ssyncset.s32 @!p0 $0xFFFFF086;
	s6 =	sadd.s32 @!p0 s3, s7;
	s7 =	simm.s32 @!p0 $0x108  }
0x21: {  	s3 =	sadd.s32 s3, s9;
	s6 =	sadd.s32 @!p0 $0x88, s6;
	s7 =	simm.s32 @p2 $0x1082  }
0x22: {  	[simem:s7], [sflag:s8] =	dma.local @!p0 [hbm:s6], $0xF7A  }
0x23: {  	s9 =	sor.u32 $0xD0000000, s2;
	s6 =	simm.s32 $0x108;
	_ =	swait.ge @!p0 [sflag:s8], $0x0  }
0x24: {  	s3 =	sadd.s32 $0x88, s3;
	s6 =	simm.s32 @!p1 $0x1082;
	[sflag:s4] =	ssyncset.s32 $0xFFFFF086  }
0x25: {  	[simem:s6], [sflag:s4] =	dma.local [hbm:s3], $0xF7A  }
0x26: {  	[smem:$0x3F91] =	sst s1;
	(tag) =	ssettag s2;
	_ =	strace s9  }
0x27: {  	s1 =	sld [smem:$0x3FA1]  }
0x28: {  	s2 =	sld [smem:$0x3FA2]  }
0x29: {  	s4 =	sld [smem:$0x3FA4]  }
0x2a: {  	p0 =	seq.s32 s5, $0x0;
	s5 =	sld [smem:$0x3FA5]  }
0x2b: {  	s6 =	sld [smem:$0x3FA6]  }
0x2c: {  	s7 =	sld [smem:$0x3FA7]  }
0x2d: {  	s3 =	simm.s32 $0x108;
	s8 =	sld [smem:$0x3FA8]  }
0x2e: {  	s3 =	simm.s32 @!p0 $0x1082;
	s9 =	sld [smem:$0x3FA9]  }
0x2f: {  	lr =	sadd.s32 s0, s3;
	s0 =	sld [smem:$0x3FA0]  }
0x30: {  	s3 =	sld [smem:$0x3FA3]  }
0x31: {  	[smem:$0x3FAC] =	sst s10  }
0x32: {  	s10 =	sld [smem:$0x3FAA];
	_ =	sdelay $0x3  }
0x33: {  	p0 =	seq.s32 s10, $0x1;
	s10 =	sld [smem:$0x3FAC];
	_ =	sdelay $0x3  }
0x34: {  	[smem:$0x3FAC] =	sst s10  }
0x35: {  	s10 =	sld [smem:$0x3FAB];
	_ =	sdelay $0x3  }
0x36: {  	p1 =	seq.s32 s10, $0x1;
	s10 =	sld [smem:$0x3FAC];
	_ =	sdelay $0x3  }
0x37: {  	[smem:$0x3FAC] =	sst s10  }
0x38: {  	s10 =	sld [smem:$0x3FAD]  }
0x39: {  	_ = 	snop;
	(pc) =	sbr.ind lr, $3  }
0x3a: {  	_ = 	snop  }
0x3b: {  	_ = 	snop  }
0x3c: {  	p2 =	seq.s32 s10, $0x1;
	s10 =	sld [smem:$0x3FAC]  }
0x3d: {  	_ =	shalt  }
0x3e: {  	_ =	shalt  }
0x3f: {  	_ =	shalt  }
0x40: {  	_ =	shalt  }
0x41: {  	_ =	shalt  }
0x42: {  	_ =	shalt  }
0x43: {  	_ =	shalt  }
0x44: {  	_ =	shalt  }
0x45: {  	_ =	shalt  }
0x46: {  	_ =	shalt  }
0x47: {  	_ =	shalt  }
0x48: {  	_ =	shalt  }
0x49: {  	_ =	shalt  }
0x4a: {  	_ =	shalt  }
0x4b: {  	_ =	shalt  }
0x4c: {  	_ =	shalt  }
0x4d: {  	_ =	shalt  }
0x4e: {  	_ =	shalt  }
0x4f: {  	_ =	shalt  }
0x50: {  	_ =	shalt  }
0x51: {  	_ =	shalt  }
0x52: {  	_ =	shalt  }
0x53: {  	_ =	shalt  }
0x54: {  	_ =	shalt  }
0x55: {  	_ =	shalt  }
0x56: {  	_ =	shalt  }
0x57: {  	_ =	shalt  }
0x58: {  	_ =	shalt  }
0x59: {  	_ =	shalt  }
0x5a: {  	_ =	shalt  }
0x5b: {  	_ =	shalt  }
0x5c: {  	_ =	shalt  }
0x5d: {  	_ =	shalt  }
0x5e: {  	_ =	shalt  }
0x5f: {  	_ =	shalt  }
0x60: {  	_ =	shalt  }
0x61: {  	_ =	shalt  }
0x62: {  	_ =	shalt  }
0x63: {  	_ =	shalt  }
0x64: {  	_ =	shalt  }
0x65: {  	_ =	shalt  }
0x66: {  	_ =	shalt  }
0x67: {  	_ =	shalt  }
0x68: {  	_ =	shalt  }
0x69: {  	_ =	shalt  }
0x6a: {  	_ =	shalt  }
0x6b: {  	_ =	shalt  }
0x6c: {  	_ =	shalt  }
0x6d: {  	_ =	shalt  }
0x6e: {  	_ =	shalt  }
0x6f: {  	_ =	shalt  }
0x70: {  	_ =	shalt  }
0x71: {  	_ =	shalt  }
0x72: {  	_ =	shalt  }
0x73: {  	_ =	shalt  }
0x74: {  	_ =	shalt  }
0x75: {  	_ =	shalt  }
0x76: {  	_ =	shalt  }
0x77: {  	_ =	shalt  }
0x78: {  	_ =	shalt  }
0x79: {  	_ =	shalt  }
0x7a: {  	_ =	shalt  }
0x7b: {  	_ =	shalt  }
0x7c: {  	_ =	shalt  }
0x7d: {  	_ =	shalt  }
0x7e: {  	_ =	shalt  }
0x7f: {  	_ =	shalt  }
0x80: {  	_ =	shalt  }
0x81: {  	_ =	shalt  }
0x82: {  	_ =	shalt  }
0x83: {  	_ =	shalt  }
0x84: {  	_ =	shalt  }
0x85: {  	_ =	shalt  }
0x86: {  	_ =	shalt  }
0x87: {  	_ =	shalt  }
.Lfunc_end0:
.L_simem_size_0:
called_computation.2_lowered:
.L_overlay_start_0:
0x88: {  	s2 =	sld [smem:$0x3FD9]  }
0x89: {  	s3 =	sld [smem:$0x3FFE];
	_ =	sdelay $0x1  }
0x8a: {  	s1 =	srdreg.scid  }
0x8b: {  	s0 =	sand.u32 $0x1, s1  }
0x8c: {  	s16 =	sshll.u32 s0, $0xA;
	s2 =	sadd.s32 s3, s2  }
0x8d: {  	s2 =	sadd.s32 s2, s16  }
0x8e: {  	[smem:$0x3FB8] =	sst s2  }
0x8f: {  	_ = 	snop  }
0x90: {  	(tm) =	ssettm $0x1  }
0x91: {  	s17 =	sld [smem:$0x3FFB];
	_ =	sdelay $0x3  }
0x92: {  	_ =	strace s17  }
0x93: {  	s2 =	sld [smem:$0x3FFC];
	_ =	sdelay $0x3  }
0x94: {  	_ =	strace s2  }
0x95: {  	s2 =	sld [smem:$0x3FFD];
	_ =	sdelay $0x3  }
0x96: {  	_ =	strace s2  }
0x97: {  	_ =	strace $0x8FFFFFFF  }
0x98: {  	s18 =	sld [smem:$0x3FDB];
	_ =	sdelay $0x1  }
0x99: {  	s19 =	simm.s32 $_scs_section_size  }
0x9a: {  	s4 =	simm.s32 $_size__tile_overlayer_lowered;
	s5 =	simm.s32 $_tile_overlayer_lowered  }
0x9b: {  	s22 =	simm.s32 $0x1BFF;
	s21 =	sshll.u32 s5, $0x1;
	s2 =	sadd.s32 s19, s18  }
0x9c: {  	s6 =	simm.s32 $0x0;
	s20 =	sshll.u32 s4, $0x1;
	s4 =	sadd.s32 s21, s2  }
0x9d: {  	[timem:s6], [sflag:s22] =	dma.local [hbm:s4], s20  }
0x9e: {  	_ =	swait.ge [sflag:s22], s20  }
0x9f: {  	s3 =	ssub.s32 $0x0, s20;
	[sflag:s22] =	ssyncset.done $0x0  }
0xa0: {  	[sflag:s22] =	ssyncadd.s32 s3;
	_ =	sdelay $0x1  }
0xa1: {  	s23 =	simm.s32 $0x1B8B  }
0xa2: {  	_ =	swait.ge [sflag:s23], $0x1  }
0xa3: {  	[sflag:s23] =	ssyncset.done $0x0  }
0xa4: {  	s25 =	simm.s32 $0x1B8E;
	s24 =	sld [smem:$0x3FFE];
	[sflag:s23] =	ssyncadd.s32 $0xFFFFFFFF  }
0xa5: {  	s26 =	simm.s32 $execute0_lowered;
	[smem:$0x3FD2] =	sst s25  }
0xa6: {  	s4 =	sshll.u32 s26, $0x1;
	_ =	strace $0x8000004C;
	[dreg:$0x1] =	wrdreg $0xFFFFFFFF  }
0xa7: {  	s28 =	simm.s32 $_size_execute0_lowered;
	s2 =	sadd.s32 s2, s4;
	[dreg:$0x0] =	wrdreg $0x0  }
0xa8: {  	s4 =	sshll.u32 s28, $0x1;
	[dreg:$0x2] =	wrdreg s2  }
0xa9: {  	[dreg:$0x3] =	wrdreg s4  }
0xaa: {  	[dreg:$0x4] =	wrdreg $0xC0  }
0xab: {  	_ =	task [dreg:s6], $0x5FFFF  }
0xac: {  	[dreg:$0x1] =	wrdreg $0xFFFFFFFF  }
0xad: {  	[dreg:$0x0] =	wrdreg $0x60  }
0xae: {  	[dreg:$0x2] =	wrdreg s24  }
0xaf: {  	[dreg:$0x3] =	wrdreg $0xB7800  }
0xb0: {  	[dreg:$0x4] =	wrdreg $0x9  }
0xb1: {  	_ =	task.clear_ibuf [dreg:s6], $0x5FFFF;
	_ =	strace $0x9000004C  }
0xb2: {  	s29 =	simm.s32 $0x9;
	_ =	strace $0x8000004E  }
0xb3: {  	_ =	swait.ge [sflag:s29], $0x1  }
0xb4: {  	[sflag:s29] =	ssyncadd.s32 $0xFFFFFFFF  }
0xb5: {  	_ =	strace $0x9000004E  }
0xb6: {  	_ =	sfence  }
0xb7: {  	s30 =	sld [smem:$0x0];
	_ =	sdelay $0x2  }
0xb8: {  	s31 =	sshll.u32 s1, $0xD;
	s1 =	sshrl.u32 s1, $0x2  }
0xb9: {  	s3 =	sand.u32 $0x4000, s31;
	s1 =	sadd.s32 s1, s30  }
0xba: {  	s0 =	sor.u32 s3, s0;
	s1 =	sshll.u32 s1, $0x11  }
0xbb: {  	s0 =	sor.u32 s1, s0  }
0xbc: {  	s0 =	sadd.s32 $0x8F2B, s0  }
0xbd: {  	[sflag:s0] =	ssyncadd.remote.s32 $0x1  }
0xbe: {  	_ =	sfence.sel $0xFFFF  }
0xbf: {  	[dreg:$0x0] =	wrdreg $0xFFFFFFFF;
	(pc) =	sbr.abs _section_cstart, $3  }
0xc0: {  	[dreg:$0x1] =	wrdreg $0xFFFFFFFF  }
0xc1: {  	_ =	task.clear_ibuf [dreg:s6], $0x2FFFF;
	_ =	strace $0x9FFFFFFF  }
0xc2: {  	(tm) =	ssettm $0x7FFFFFFF  }
0xc3: {  	_ =	shalt  }
tec
execute0_lowered:
.L_overlay_start_1:
0x0: {  	(tag) =	ssettag $0x1  }
0x1: {  	s7 =	rddreg [dreg:$0x0]  }
0x2: {  	s0 =	srdreg.scid;
	s2 =	rddreg [dreg:$0x1]  }
0x3: {  	s3 =	simm.s32 $0x0;
	s15 =	simm.s32 $0x50;
	s16 =	simm.s32 $0x6780  }
0x4: {  	s20 =	simm.s32 $0x8F80;
	s21 =	simm.s32 $0x1;
	s22 =	simm.s32 $0x2  }
0x5: {  	s23 =	simm.s32 $0x6580;
	s24 =	simm.s32 $0x0;
	s5 =	sand.u32 $0x1, s0  }
0x6: {  	s0 =	stileid.u32;
	[smem:$0x7FF] =	sst s3;
	s14 =	sadd.s32 $0x46C00, s7  }
0x7: {  	s19 =	sadd.s32 $0x138000, s2;
	s1 =	sshll.u32 s5, $0x4;
	s9 =	smul.u32 $0x4E000, s0  }
0x8: {  	s8 =	sshll.u32 s0, $0x7;
	s26 =	ssub.s32 $0x2, s5;
	s11 =	smul.u32 $0x138800, s5  }
0x9: {  	s5 =	sadd.s32 $0x1D200, s7;
	s13 =	smul.u32 $0x13800, s0;
	p0 =	sne.s32 s0, $0xF  }
0xa: {  	s17 =	sshll.u32 s0, $0x6;
	s6 =	sor.u32 s0, s1;
	s8 =	sand.u32 $0x380, s8  }
0xb: {  	s12 =	sshrl.u32 s26, $0x1;
	s17 =	sor.u32 $0x1C03, s17;
	s19 =	sshrl.u32 @!p0 s19, $0x3  }
0xc: {  	s1 =	sshrl.u32 s6, $0x3;
	s6 =	sshll.u32 s6, $0xB;
	s12 =	ssub.s32 s26, s12  }
0xd: {  	s28 =	sshrl.u32 s9, $0x2;
	s29 =	sadd.s32 s13, s11;
	s31 =	sshrl.u32 s11, $0x3  }
0xe: {  	s11 =	simm.s32 $0x80;
	s13 =	simm.s32 $0x3;
	s4 =	smul.u32 $0x13C00, s1  }
0xf: {  	s1 =	rddreg [dreg:$0x2];
	_ =	strace $0x8000004D;
	s10 =	sadd.s32 s6, s7  }
0x10: {  	s18 =	sadd.s32 s28, s2;
	s9 =	sadd.s32 s14, s31;
	s8 =	sor.u32 s8, s4  }
0x11: {  	s30 =	sshrl.u32 s29, $0x3;
	s9 =	sadd.s32 $0x27000, s9;
	s8 =	sshrl.u32 s8, $0x3  }
0x12: {  	s18 =	sshrl.u32 s18, $0x3;
	s4 =	sadd.s32 $0x1FA00, s7;
	s8 =	sadd.s32 s8, s7  }
0x13: {  	s7 =	sadd.s32 $0x3400, s10;
	s10 =	smax.u32 s12, $0x1;
	s12 =	simm.s32 $0x400  }
0x14: {  	s6 =	sadd.s32 $0x13400, s8;
	s8 =	sadd.s32 s14, s30;
	s14 =	simm.s32 $0x2780  }
.LBB2_1:
0x15: {  	[tilespmem:s3], [sflag:$0x3] =	stream.strided.gather [hbm4b:s6+s11], $0x2780, s12, s11, $0x38;
	[tilespmem:$0x1F000] =	vst v63  }
0x16: {  	_ =	swait.ge [sflag:s13], $0x2780  }
0x17: {  	[sflag:s13] =	ssyncset.done $0x0  }
0x18: {  	[sflag:s13] =	ssyncadd.s32 $0xFFFFD880  }
0x19: {  	[tilespmem:s14], [sflag:$0x3] =	stream.linear.gather [hbm4b:s7+s3], $0x3E80, $0x38;
	[tilespmem:$0x1F000] =	vst v63  }
0x1a: {  	_ =	swait.ge [sflag:s13], $0x3E80  }
0x1b: {  	[sflag:s13] =	ssyncset.done $0x0  }
0x1c: {  	[sflag:s13] =	ssyncadd.s32 $0xFFFFC180  }
0x1d: {  	[tilespmem:s16], [sflag:$0x1] =	stream.indirect.gather [hbm4b:s4+s15], $0x80, s3, s15, $0xb8;
	[tilespmem:$0x1F000] =	vst v63  }
0x1e: {  	[spmem:s18], [sflag:s17] =	dma.local [hbm:s5], $0x2700  }
0x1f: {  	_ =	swait.ge [sflag:s13], $0x2700  }
0x20: {  	[sflag:s13] =	ssyncset.done $0x0  }
0x21: {  	s25 =	simm.s32 @!p0 $0x3;
	[sflag:s13] =	ssyncadd.s32 $0xFFFFD900  }
0x22: {  	[spmem:s19], [sflag:s17] =	dma.local @!p0 [hbm:s5], $0x100  }
0x23: {  	_ =	swait.ge @!p0 [sflag:s25], $0x100  }
0x24: {  	[sflag:s25] =	ssyncset.done @!p0 $0x0  }
0x25: {  	[sflag:s25] =	ssyncadd.s32 @!p0 $0xFFFFFF00  }
0x26: {  	s26 =	simm.s32 $0x50;
	[bflag:$0x0] =	sbarrier.arrive $0xFFFF  }
0x27: {  	[tilespmem:s20], [sflag:$0x2] =	stream.indirect.gather [hbm4b:s4+s15], $0x80, s26, s15, $0xb8;
	[tilespmem:$0x1F000] =	vst v63  }
0x28: {  	_ =	swait.ge [sflag:s21], $0x2800  }
0x29: {  	[sflag:s21] =	ssyncset.done $0x0  }
0x2a: {  	s29 =	simm.s32 $0x2780;
	[sflag:s21] =	ssyncadd.s32 $0xFFFFD800  }
0x2b: {  	[spmem:s2] =	stream.indirect.scatter.add.f32 [tilespmem:s16], [sflag:$0x3], $0x80, s29, s15, $0xb8;
	[tilespmem:$0x1F000] =	vst v63  }
0x2c: {  	_ =	swait.ge [sflag:s13], $0x2800  }
0x2d: {  	[sflag:s13] =	ssyncset.done $0x0  }
0x2e: {  	s30 =	simm.s32 $0xA0;
	[sflag:s13] =	ssyncadd.s32 $0xFFFFD800  }
0x2f: {  	[tilespmem:s16], [sflag:$0x1] =	stream.indirect.gather [hbm4b:s4+s15], $0x80, s30, s15, $0xb8;
	[tilespmem:$0x1F000] =	vst v63  }
0x30: {  	_ =	swait.ge [sflag:s22], $0x2800  }
0x31: {  	[sflag:s22] =	ssyncset.done $0x0  }
0x32: {  	s31 =	simm.s32 $0x2800;
	[sflag:s22] =	ssyncadd.s32 $0xFFFFD800  }
0x33: {  	[spmem:s2] =	stream.indirect.scatter.add.f32 [tilespmem:s20], [sflag:$0x3], $0x80, s31, s15, $0xb8;
	[tilespmem:$0x1F000] =	vst v63  }
0x34: {  	s28 =	simm.s32 $0x800;
	_ =	swait.ge [sflag:s13], $0x2800  }
0x35: {  	s25 =	simm.s32 $0x140;
	s26 =	simm.s32 $0x400;
	[sflag:s13] =	ssyncset.done $0x0  }
.LBB2_2:
0x36: {  	p1 =	sne.s32 s28, $0xF400;
	s29 =	sadd.s32 $0xFFFFFFB0, s25;
	[sflag:s13] =	ssyncadd.s32 $0xFFFFD800  }
0x37: {  	[tilespmem:s20], [sflag:$0x2] =	stream.indirect.gather [hbm4b:s4+s15], $0x80, s29, s15, $0xb8;
	[tilespmem:$0x1F000] =	vst v63  }
0x38: {  	s29 =	smov.u32 s28;
	s28 =	sadd.s32 $0x400, s28;
	_ =	swait.ge [sflag:s21], $0x2800  }
0x39: {  	s30 =	sshra.s32 s26, $0x2;
	s26 =	smov.u32 s29;
	[sflag:s21] =	ssyncset.done $0x0  }
0x3a: {  	s29 =	sadd.s32 $0x2780, s30;
	[sflag:s21] =	ssyncadd.s32 $0xFFFFD800  }
0x3b: {  	[spmem:s2] =	stream.indirect.scatter.add.f32 [tilespmem:s16], [sflag:$0x3], $0x80, s29, s15, $0xb8;
	[tilespmem:$0x1F000] =	vst v63  }
0x3c: {  	_ =	swait.ge [sflag:s13], $0x2800  }
0x3d: {  	[sflag:s13] =	ssyncset.done $0x0  }
0x3e: {  	[sflag:s13] =	ssyncadd.s32 $0xFFFFD800  }
0x3f: {  	[tilespmem:s16], [sflag:$0x1] =	stream.indirect.gather [hbm4b:s4+s15], $0x80, s25, s15, $0xb8;
	[tilespmem:$0x1F000] =	vst v63  }
0x40: {  	_ =	swait.ge [sflag:s22], $0x2800  }
.Ltmp0:
0x41: {  	[sflag:s22] =	ssyncset.done $0x0;
	(pc) =	sbr.rel @p1 .LBB2_2-.Ltmp0, $4  }
0x42: {  	s29 =	sadd.s32 $0x2800, s30;
	[sflag:s22] =	ssyncadd.s32 $0xFFFFD800  }
0x43: {  	[spmem:s2] =	stream.indirect.scatter.add.f32 [tilespmem:s20], [sflag:$0x3], $0x80, s29, s15, $0xb8;
	[tilespmem:$0x1F000] =	vst v63  }
0x44: {  	_ =	swait.ge [sflag:s13], $0x2800  }
0x45: {  	s25 =	sadd.s32 $0xA0, s25;
	[sflag:s13] =	ssyncset.done $0x0  }
0x46: {  	s28 =	sadd.s32 $0xFFFFFFB0, s25;
	[sflag:s13] =	ssyncadd.s32 $0xFFFFD800  }
0x47: {  	[tilespmem:s20], [sflag:$0x2] =	stream.indirect.gather [hbm4b:s4+s15], $0x80, s28, s15, $0xb8;
	[tilespmem:$0x1F000] =	vst v63  }
0x48: {  	_ =	swait.ge [sflag:s21], $0x2800  }
0x49: {  	s26 =	sshra.s32 s26, $0x2;
	[sflag:s21] =	ssyncset.done $0x0  }
0x4a: {  	s30 =	sadd.s32 $0x2780, s26;
	[sflag:s21] =	ssyncadd.s32 $0xFFFFD800  }
0x4b: {  	[spmem:s2] =	stream.indirect.scatter.add.f32 [tilespmem:s16], [sflag:$0x3], $0x80, s30, s15, $0xb8;
	[tilespmem:$0x1F000] =	vst v63  }
0x4c: {  	_ =	swait.ge [sflag:s13], $0x2800  }
0x4d: {  	[sflag:s13] =	ssyncset.done $0x0  }
0x4e: {  	[sflag:s13] =	ssyncadd.s32 $0xFFFFD800  }
0x4f: {  	[tilespmem:s16], [sflag:$0x1] =	stream.indirect.gather [hbm4b:s4+s15], $0x80, s25, s15, $0xb8;
	[tilespmem:$0x1F000] =	vst v63  }
0x50: {  	_ =	swait.ge [sflag:s22], $0x2800  }
0x51: {  	[sflag:s22] =	ssyncset.done $0x0  }
0x52: {  	s31 =	sadd.s32 $0x2800, s26;
	[sflag:s22] =	ssyncadd.s32 $0xFFFFD800  }
0x53: {  	[spmem:s2] =	stream.indirect.scatter.add.f32 [tilespmem:s20], [sflag:$0x3], $0x80, s31, s15, $0xb8;
	[tilespmem:$0x1F000] =	vst v63  }
0x54: {  	_ =	swait.ge [sflag:s13], $0x2800  }
0x55: {  	[sflag:s13] =	ssyncset.done $0x0  }
0x56: {  	[sflag:s13] =	ssyncadd.s32 $0xFFFFD800  }
0x57: {  	_ =	swait.ge [sflag:s21], $0x2800  }
0x58: {  	[sflag:s21] =	ssyncset.done $0x0  }
0x59: {  	[sflag:s21] =	ssyncadd.s32 $0xFFFFD800  }
0x5a: {  	[spmem:s2] =	stream.indirect.scatter.add.f32 [tilespmem:s16], [sflag:$0x3], $0x80, s23, s15, $0xb8;
	[tilespmem:$0x1F000] =	vst v63  }
0x5b: {  	_ =	swait.ge [sflag:s13], $0x2800  }
0x5c: {  	[sflag:s13] =	ssyncset.done $0x0  }
0x5d: {  	[sflag:s13] =	ssyncadd.s32 $0xFFFFD800  }
0x5e: {  	[bflag:$0x0] =	sbarrier.arrive $0xFFFF  }
0x5f: {  	[hbm:s8], [sflag:s17] =	dma.local [spmem:s18], $0x2700  }
0x60: {  	s24 =	sadd.s32 $0x1, s24;
	_ =	swait.ge [sflag:s13], $0x2700  }
0x61: {  	p1 =	sne.s32 s24, s10;
	[sflag:s13] =	ssyncset.done $0x0  }
.Ltmp1:
0x62: {  	s25 =	simm.s32 @!p0 $0x3;
	[sflag:s13] =	ssyncadd.s32 $0xFFFFD900;
	(pc) =	sbr.rel @p1 .LBB2_1-.Ltmp1, $4  }
0x63: {  	[hbm:s9], [sflag:s17] =	dma.local @!p0 [spmem:s19], $0x100  }
0x64: {  	_ =	swait.ge @!p0 [sflag:s25], $0x100  }
0x65: {  	[sflag:s25] =	ssyncset.done @!p0 $0x0  }
0x66: {  	[sflag:s25] =	ssyncadd.s32 @!p0 $0xFFFFFF00  }
0x67: {  	_ =	sfence.sel $0x180000  }
0x68: {  	[bflag:$0x0] =	sbarrier.arrive $0xFFFF  }
0x69: {  	p0 =	sne.s32 s0, $0x0;
	_ =	strace $0x9000004D  }
0x6a: {  	s0 =	sadd.s32 @!p0 $0x100000, s1;
	[bflag:$0x2] =	sbarrier.arrive $0xFFFF  }
0x6b: {  	[sflag:s0] =	ssyncadd.tile.s32 @!p0 $0x1;
	_ =	shalt  }
.Lfunc_end2:
_tile_overlayer_lowered:
.L_overlay_start_2:
0x6c: {  	(tag) =	ssettag $0x2  }
0x6d: {  	s0 =	rddreg [dreg:$0x0];
	s2 =	stileid.u32  }
0x6e: {  	s1 =	rddreg [dreg:$0x1];
	p0 =	sne.s32 s2, $0x0  }
0x6f: {  	s3 =	rddreg [dreg:$0x2];
	[bflag:$0x3] =	sbarrier.arrive $0xFFFF;
	s2 =	simm.s32 @!p0 $0x1C03  }
0x70: {  	[timem:s3], [sflag:s2] =	dma.local @!p0 [hbm:s0], s1  }
0x71: {  	s0 =	simm.s32 @!p0 $0x3  }
0x72: {  	_ =	swait.ge @!p0 [sflag:s0], s1  }
0x73: {  	s1 =	ssub.s32 @!p0 $0x0, s1;
	[sflag:s0] =	ssyncset.done @!p0 $0x0  }
0x74: {  	[sflag:s0] =	ssyncadd.s32 @!p0 s1  }
0x75: {  	[bflag:$0x3] =	sbarrier.arrive $0xFFFF  }
0x76: {  	_ =	shalt  }

// kernel: kernel.8.cloned.1.call-start
scs
__scs_entry_jumppad:
0x0: {  	(pc) =	sbr.rel $0x88, $3  }
0x1: {  	(tag) =	ssettag $0x0;
	lr =	simm.s32 $0x1  }
0x2: {  	[smem:$0x3F91] =	sst lr;
	_ =	strace $0xD0000000  }
0x3: {  	_ = 	snop  }
0x4: {  	_ = 	snop  }
0x5: {  	_ = 	snop  }
0x6: {  	_ = 	snop  }
0x7: {  	_ = 	snop  }
__scs_overlays_trampoline_lowered:
0x8: {  	[smem:$0x3FA0] =	sst s0  }
0x9: {  	[smem:$0x3FA1] =	sst s1  }
0xa: {  	[smem:$0x3FA2] =	sst s2  }
0xb: {  	[smem:$0x3FA3] =	sst s3  }
0xc: {  	[smem:$0x3FA4] =	sst s4  }
0xd: {  	[smem:$0x3FA5] =	sst s5  }
0xe: {  	[smem:$0x3FA6] =	sst s6  }
0xf: {  	[smem:$0x3FA7] =	sst s7  }
0x10: {  	[smem:$0x3FA8] =	sst s8  }
0x11: {  	[smem:$0x3FA9] =	sst s9;
	s0 =	simm.s32 @!p0 $0x0  }
0x12: {  	s1 =	sld [smem:$0x3F8F];
	s0 =	simm.s32 @p0 $0x1  }
0x13: {  	[smem:$0x3FAA] =	sst s0;
	s0 =	simm.s32 @!p1 $0x0  }
0x14: {  	s2 =	sld [smem:$0x3F8E];
	s0 =	simm.s32 @p1 $0x1  }
0x15: {  	[smem:$0x3FAB] =	sst s0;
	s0 =	simm.s32 @!p2 $0x0  }
0x16: {  	s3 =	sld [smem:$0x3FDB];
	s0 =	simm.s32 @p2 $0x1  }
0x17: {  	s4 =	simm.s32 $0x1BF5;
	[smem:$0x3FAD] =	sst s0  }
0x18: {  	s0 =	sld [smem:$0x3F90];
	_ =	swait.ge [sflag:s4], $0x0  }
0x19: {  	s7 =	sld [smem:$0x3F91]  }
0x1a: {  	s8 =	sadd.s32 $0xFFFFE003, lr  }
0x1b: {  	s9 =	sadd.s32 $0xFFFFFEF7, lr;
	s5 =	simm.s32 $0xFFFFFFFF;
	p2 =	slt.u32 s8, $0xFFFFF086  }
0x1c: {  	p1 =	slt.u32 s9, $0xF7A;
	s5 =	simm.s32 @!p2 $0x0  }
0x1d: {  	s5 =	simm.s32 @p1 $0x1;
	p0 =	seq.s32 s7, s2  }
0x1e: {  	s7 =	smul.u32 @!p0 $0xF7A, s2;
	p2 =	seq.s32 @!p0 s5, $0x0  }
0x1f: {  	s9 =	smul.u32 $0xF7A, s1;
	s8 =	simm.s32 @!p0 $0x1BF5;
	p2 =	por !p2, p0  }
0x20: {  	[sflag:s8] =	ssyncset.s32 @!p0 $0xFFFFF086;
	s6 =	sadd.s32 @!p0 s3, s7;
	s7 =	simm.s32 @!p0 $0x108  }
0x21: {  	s3 =	sadd.s32 s3, s9;
	s6 =	sadd.s32 @!p0 $0x88, s6;
	s7 =	simm.s32 @p2 $0x1082  }
0x22: {  	[simem:s7], [sflag:s8] =	dma.local @!p0 [hbm:s6], $0xF7A  }
0x23: {  	s9 =	sor.u32 $0xD0000000, s2;
	s6 =	simm.s32 $0x108;
	_ =	swait.ge @!p0 [sflag:s8], $0x0  }
0x24: {  	s3 =	sadd.s32 $0x88, s3;
	s6 =	simm.s32 @!p1 $0x1082;
	[sflag:s4] =	ssyncset.s32 $0xFFFFF086  }
0x25: {  	[simem:s6], [sflag:s4] =	dma.local [hbm:s3], $0xF7A  }
0x26: {  	[smem:$0x3F91] =	sst s1;
	(tag) =	ssettag s2;
	_ =	strace s9  }
0x27: {  	s1 =	sld [smem:$0x3FA1]  }
0x28: {  	s2 =	sld [smem:$0x3FA2]  }
0x29: {  	s4 =	sld [smem:$0x3FA4]  }
0x2a: {  	p0 =	seq.s32 s5, $0x0;
	s5 =	sld [smem:$0x3FA5]  }
0x2b: {  	s6 =	sld [smem:$0x3FA6]  }
0x2c: {  	s7 =	sld [smem:$0x3FA7]  }
0x2d: {  	s3 =	simm.s32 $0x108;
	s8 =	sld [smem:$0x3FA8]  }
0x2e: {  	s3 =	simm.s32 @!p0 $0x1082;
	s9 =	sld [smem:$0x3FA9]  }
0x2f: {  	lr =	sadd.s32 s0, s3;
	s0 =	sld [smem:$0x3FA0]  }
0x30: {  	s3 =	sld [smem:$0x3FA3]  }
0x31: {  	[smem:$0x3FAC] =	sst s10  }
0x32: {  	s10 =	sld [smem:$0x3FAA];
	_ =	sdelay $0x3  }
0x33: {  	p0 =	seq.s32 s10, $0x1;
	s10 =	sld [smem:$0x3FAC];
	_ =	sdelay $0x3  }
0x34: {  	[smem:$0x3FAC] =	sst s10  }
0x35: {  	s10 =	sld [smem:$0x3FAB];
	_ =	sdelay $0x3  }
0x36: {  	p1 =	seq.s32 s10, $0x1;
	s10 =	sld [smem:$0x3FAC];
	_ =	sdelay $0x3  }
0x37: {  	[smem:$0x3FAC] =	sst s10  }
0x38: {  	s10 =	sld [smem:$0x3FAD]  }
0x39: {  	_ = 	snop;
	(pc) =	sbr.ind lr, $3  }
0x3a: {  	_ = 	snop  }
0x3b: {  	_ = 	snop  }
0x3c: {  	p2 =	seq.s32 s10, $0x1;
	s10 =	sld [smem:$0x3FAC]  }
0x3d: {  	_ =	shalt  }
0x3e: {  	_ =	shalt  }
0x3f: {  	_ =	shalt  }
0x40: {  	_ =	shalt  }
0x41: {  	_ =	shalt  }
0x42: {  	_ =	shalt  }
0x43: {  	_ =	shalt  }
0x44: {  	_ =	shalt  }
0x45: {  	_ =	shalt  }
0x46: {  	_ =	shalt  }
0x47: {  	_ =	shalt  }
0x48: {  	_ =	shalt  }
0x49: {  	_ =	shalt  }
0x4a: {  	_ =	shalt  }
0x4b: {  	_ =	shalt  }
0x4c: {  	_ =	shalt  }
0x4d: {  	_ =	shalt  }
0x4e: {  	_ =	shalt  }
0x4f: {  	_ =	shalt  }
0x50: {  	_ =	shalt  }
0x51: {  	_ =	shalt  }
0x52: {  	_ =	shalt  }
0x53: {  	_ =	shalt  }
0x54: {  	_ =	shalt  }
0x55: {  	_ =	shalt  }
0x56: {  	_ =	shalt  }
0x57: {  	_ =	shalt  }
0x58: {  	_ =	shalt  }
0x59: {  	_ =	shalt  }
0x5a: {  	_ =	shalt  }
0x5b: {  	_ =	shalt  }
0x5c: {  	_ =	shalt  }
0x5d: {  	_ =	shalt  }
0x5e: {  	_ =	shalt  }
0x5f: {  	_ =	shalt  }
0x60: {  	_ =	shalt  }
0x61: {  	_ =	shalt  }
0x62: {  	_ =	shalt  }
0x63: {  	_ =	shalt  }
0x64: {  	_ =	shalt  }
0x65: {  	_ =	shalt  }
0x66: {  	_ =	shalt  }
0x67: {  	_ =	shalt  }
0x68: {  	_ =	shalt  }
0x69: {  	_ =	shalt  }
0x6a: {  	_ =	shalt  }
0x6b: {  	_ =	shalt  }
0x6c: {  	_ =	shalt  }
0x6d: {  	_ =	shalt  }
0x6e: {  	_ =	shalt  }
0x6f: {  	_ =	shalt  }
0x70: {  	_ =	shalt  }
0x71: {  	_ =	shalt  }
0x72: {  	_ =	shalt  }
0x73: {  	_ =	shalt  }
0x74: {  	_ =	shalt  }
0x75: {  	_ =	shalt  }
0x76: {  	_ =	shalt  }
0x77: {  	_ =	shalt  }
0x78: {  	_ =	shalt  }
0x79: {  	_ =	shalt  }
0x7a: {  	_ =	shalt  }
0x7b: {  	_ =	shalt  }
0x7c: {  	_ =	shalt  }
0x7d: {  	_ =	shalt  }
0x7e: {  	_ =	shalt  }
0x7f: {  	_ =	shalt  }
0x80: {  	_ =	shalt  }
0x81: {  	_ =	shalt  }
0x82: {  	_ =	shalt  }
0x83: {  	_ =	shalt  }
0x84: {  	_ =	shalt  }
0x85: {  	_ =	shalt  }
0x86: {  	_ =	shalt  }
0x87: {  	_ =	shalt  }
.Lfunc_end0:
.L_simem_size_0:
called_computation_lowered:
.L_overlay_start_0:
0x88: {  	s2 =	sld [smem:$0x3FD9]  }
0x89: {  	s3 =	sld [smem:$0x3FFE];
	_ =	sdelay $0x1  }
0x8a: {  	s1 =	srdreg.scid  }
0x8b: {  	s0 =	sand.u32 $0x1, s1  }
0x8c: {  	s17 =	sshll.u32 s0, $0xA;
	s2 =	sadd.s32 s3, s2  }
0x8d: {  	s2 =	sadd.s32 s2, s17  }
0x8e: {  	[smem:$0x3FB8] =	sst s2  }
0x8f: {  	_ = 	snop  }
0x90: {  	s2 =	sld [smem:$0x3FC9];
	(tm) =	ssettm $0x1  }
0x91: {  	s18 =	sld [smem:$0x3FFB];
	_ =	sdelay $0x3  }
0x92: {  	_ =	strace s18  }
0x93: {  	s3 =	sld [smem:$0x3FFC];
	_ =	sdelay $0x3  }
0x94: {  	_ =	strace s3  }
0x95: {  	s3 =	sld [smem:$0x3FFD];
	_ =	sdelay $0x3  }
0x96: {  	_ =	strace s3  }
0x97: {  	_ =	strace $0x8FFFFFFF  }
0x98: {  	s19 =	sld [smem:$0x3FDB];
	_ =	sdelay $0x1  }
0x99: {  	s4 =	simm.s32 $_scs_section_size  }
0x9a: {  	s5 =	simm.s32 $_size__tile_overlayer_lowered;
	s6 =	simm.s32 $_tile_overlayer_lowered  }
0x9b: {  	s22 =	simm.s32 $0x1BFF;
	s21 =	sshll.u32 s6, $0x1;
	s3 =	sadd.s32 s4, s19  }
0x9c: {  	s7 =	simm.s32 $0x0;
	s20 =	sshll.u32 s5, $0x1;
	s5 =	sadd.s32 s21, s3  }
0x9d: {  	[timem:s7], [sflag:s22] =	dma.local [hbm:s5], s20  }
0x9e: {  	_ =	swait.ge [sflag:s22], s20  }
0x9f: {  	s4 =	ssub.s32 $0x0, s20;
	[sflag:s22] =	ssyncset.done $0x0  }
0xa0: {  	[sflag:s22] =	ssyncadd.s32 s4;
	_ =	sdelay $0x1  }
0xa1: {  	s23 =	simm.s32 $0x1B8B  }
0xa2: {  	_ =	swait.ge [sflag:s23], $0x1  }
0xa3: {  	[sflag:s23] =	ssyncset.done $0x0  }
0xa4: {  	s25 =	simm.s32 $0x1B8E;
	s24 =	sld [smem:$0x3FFE];
	[sflag:s23] =	ssyncadd.s32 $0xFFFFFFFF  }
0xa5: {  	s26 =	simm.s32 $execute0_lowered;
	[smem:$0x3FD2] =	sst s25  }
0xa6: {  	s5 =	sshll.u32 s26, $0x1;
	_ =	strace $0x80000046;
	[dreg:$0x1] =	wrdreg $0xFFFFFFFF  }
0xa7: {  	s28 =	simm.s32 $_size_execute0_lowered;
	s3 =	sadd.s32 s3, s5;
	[dreg:$0x0] =	wrdreg $0x0  }
0xa8: {  	s5 =	sshll.u32 s28, $0x1;
	[dreg:$0x2] =	wrdreg s3  }
0xa9: {  	[dreg:$0x3] =	wrdreg s5  }
0xaa: {  	[dreg:$0x4] =	wrdreg $0xC0  }
0xab: {  	_ =	task [dreg:s7], $0x5FFFF  }
0xac: {  	[dreg:$0x1] =	wrdreg $0xFFFFFFFF  }
0xad: {  	[dreg:$0x0] =	wrdreg $0x60  }
0xae: {  	[dreg:$0x2] =	wrdreg s2  }
0xaf: {  	[dreg:$0x3] =	wrdreg s24  }
0xb0: {  	[dreg:$0x4] =	wrdreg $0xB7800  }
0xb1: {  	[dreg:$0x5] =	wrdreg $0x9  }
0xb2: {  	_ =	task.clear_ibuf [dreg:s7], $0x6FFFF;
	_ =	strace $0x90000046  }
0xb3: {  	s29 =	simm.s32 $0x9;
	_ =	strace $0x80000048  }
0xb4: {  	_ =	swait.ge [sflag:s29], $0x1  }
0xb5: {  	[sflag:s29] =	ssyncadd.s32 $0xFFFFFFFF  }
0xb6: {  	_ =	strace $0x90000048  }
0xb7: {  	_ =	sfence  }
0xb8: {  	s30 =	sld [smem:$0x0];
	_ =	sdelay $0x2  }
0xb9: {  	s31 =	sshll.u32 s1, $0xD;
	s1 =	sshrl.u32 s1, $0x2  }
0xba: {  	s3 =	sand.u32 $0x4000, s31;
	s1 =	sadd.s32 s1, s30  }
0xbb: {  	s0 =	sor.u32 s3, s0;
	s1 =	sshll.u32 s1, $0x11  }
0xbc: {  	s0 =	sor.u32 s1, s0  }
0xbd: {  	s0 =	sadd.s32 $0x8F2B, s0  }
0xbe: {  	[sflag:s0] =	ssyncadd.remote.s32 $0x1  }
0xbf: {  	_ =	sfence.sel $0xFFFF  }
0xc0: {  	[dreg:$0x0] =	wrdreg $0xFFFFFFFF;
	(pc) =	sbr.abs _section_cstart, $3  }
0xc1: {  	[dreg:$0x1] =	wrdreg $0xFFFFFFFF  }
0xc2: {  	_ =	task.clear_ibuf [dreg:s7], $0x2FFFF;
	_ =	strace $0x9FFFFFFF  }
0xc3: {  	(tm) =	ssettm $0x7FFFFFFF  }
tec
execute0_lowered:
.L_overlay_start_1:
0x0: {  	(tag) =	ssettag $0x1  }
0x1: {  	s1 =	rddreg [dreg:$0x0]  }
0x2: {  	s0 =	srdreg.scid;
	s7 =	rddreg [dreg:$0x1]  }
0x3: {  	s3 =	rddreg [dreg:$0x2];
	s4 =	simm.s32 $0x0;
	s15 =	simm.s32 $0x50  }
0x4: {  	s16 =	simm.s32 $0x6780;
	s20 =	simm.s32 $0x8F80;
	s21 =	simm.s32 $0x1  }
0x5: {  	s22 =	simm.s32 $0x2;
	s23 =	simm.s32 $0x6580;
	s24 =	simm.s32 $0x0  }
0x6: {  	s5 =	sand.u32 $0x1, s0;
	s0 =	stileid.u32;
	[smem:$0x7FF] =	sst s4  }
0x7: {  	s14 =	sadd.s32 $0x1FA00, s7;
	s19 =	sadd.s32 $0x138000, s3;
	s25 =	smul.u32 $0x4E000, s0  }
0x8: {  	s2 =	sshll.u32 s5, $0x4;
	s9 =	sshll.u32 s0, $0x7;
	s11 =	smul.u32 $0x138800, s5  }
0x9: {  	s26 =	ssub.s32 $0x2, s5;
	s5 =	sadd.s32 $0x1D200, s7;
	s13 =	smul.u32 $0x13800, s0  }
0xa: {  	p0 =	sne.s32 s0, $0xF;
	s17 =	sshll.u32 s0, $0x6;
	s6 =	sor.u32 s0, s2  }
0xb: {  	s9 =	sand.u32 $0x380, s9;
	s12 =	sshrl.u32 s26, $0x1;
	s17 =	sor.u32 $0x1C03, s17  }
0xc: {  	s19 =	sshrl.u32 @!p0 s19, $0x3;
	s2 =	sshrl.u32 s6, $0x3;
	s6 =	sshll.u32 s6, $0xB  }
0xd: {  	s12 =	ssub.s32 s26, s12;
	s28 =	sshrl.u32 s25, $0x2;
	s29 =	sadd.s32 s13, s11  }
0xe: {  	s31 =	sshrl.u32 s11, $0x3;
	s11 =	simm.s32 $0x80;
	s8 =	smul.u32 $0x13C00, s2  }
0xf: {  	s13 =	simm.s32 $0x3;
	s2 =	rddreg [dreg:$0x3];
	_ =	strace $0x80000047  }
0x10: {  	s10 =	sadd.s32 s6, s7;
	s18 =	sadd.s32 s28, s3;
	s8 =	sor.u32 s9, s8  }
0x11: {  	s30 =	sshrl.u32 s29, $0x3;
	s9 =	sadd.s32 s14, s31;
	s8 =	sshrl.u32 s8, $0x3  }
0x12: {  	s18 =	sshrl.u32 s18, $0x3;
	s9 =	sadd.s32 $0x27000, s9;
	s8 =	sadd.s32 s8, s7  }
0x13: {  	s7 =	sadd.s32 $0x3400, s10;
	s10 =	smax.u32 s12, $0x1;
	s12 =	simm.s32 $0x400  }
0x14: {  	s6 =	sadd.s32 $0x13400, s8;
	s8 =	sadd.s32 s14, s30;
	s14 =	simm.s32 $0x2780  }
.LBB2_1:
0x15: {  	[tilespmem:s4], [sflag:$0x3] =	stream.strided.gather [hbm4b:s6+s11], $0x2780, s12, s11, $0x38;
	[tilespmem:$0x1F000] =	vst v63  }
0x16: {  	_ =	swait.ge [sflag:s13], $0x2780  }
0x17: {  	[sflag:s13] =	ssyncset.done $0x0  }
0x18: {  	[sflag:s13] =	ssyncadd.s32 $0xFFFFD880  }
0x19: {  	[tilespmem:s14], [sflag:$0x3] =	stream.linear.gather [hbm4b:s7+s4], $0x3E80, $0x38;
	[tilespmem:$0x1F000] =	vst v63  }
0x1a: {  	_ =	swait.ge [sflag:s13], $0x3E80  }
0x1b: {  	[sflag:s13] =	ssyncset.done $0x0  }
0x1c: {  	[sflag:s13] =	ssyncadd.s32 $0xFFFFC180  }
0x1d: {  	[tilespmem:s16], [sflag:$0x1] =	stream.indirect.gather [hbm4b:s1+s15], $0x80, s4, s15, $0xb8;
	[tilespmem:$0x1F000] =	vst v63  }
0x1e: {  	[spmem:s18], [sflag:s17] =	dma.local [hbm:s5], $0x2700  }
0x1f: {  	_ =	swait.ge [sflag:s13], $0x2700  }
0x20: {  	[sflag:s13] =	ssyncset.done $0x0  }
0x21: {  	s25 =	simm.s32 @!p0 $0x3;
	[sflag:s13] =	ssyncadd.s32 $0xFFFFD900  }
0x22: {  	[spmem:s19], [sflag:s17] =	dma.local @!p0 [hbm:s5], $0x100  }
0x23: {  	_ =	swait.ge @!p0 [sflag:s25], $0x100  }
0x24: {  	[sflag:s25] =	ssyncset.done @!p0 $0x0  }
0x25: {  	[sflag:s25] =	ssyncadd.s32 @!p0 $0xFFFFFF00  }
0x26: {  	s26 =	simm.s32 $0x50;
	[bflag:$0x0] =	sbarrier.arrive $0xFFFF  }
0x27: {  	[tilespmem:s20], [sflag:$0x2] =	stream.indirect.gather [hbm4b:s1+s15], $0x80, s26, s15, $0xb8;
	[tilespmem:$0x1F000] =	vst v63  }
0x28: {  	_ =	swait.ge [sflag:s21], $0x2800  }
0x29: {  	[sflag:s21] =	ssyncset.done $0x0  }
0x2a: {  	s29 =	simm.s32 $0x2780;
	[sflag:s21] =	ssyncadd.s32 $0xFFFFD800  }
0x2b: {  	[spmem:s3] =	stream.indirect.scatter.add.f32 [tilespmem:s16], [sflag:$0x3], $0x80, s29, s15, $0xb8;
	[tilespmem:$0x1F000] =	vst v63  }
0x2c: {  	_ =	swait.ge [sflag:s13], $0x2800  }
0x2d: {  	[sflag:s13] =	ssyncset.done $0x0  }
0x2e: {  	s30 =	simm.s32 $0xA0;
	[sflag:s13] =	ssyncadd.s32 $0xFFFFD800  }
0x2f: {  	[tilespmem:s16], [sflag:$0x1] =	stream.indirect.gather [hbm4b:s1+s15], $0x80, s30, s15, $0xb8;
	[tilespmem:$0x1F000] =	vst v63  }
0x30: {  	_ =	swait.ge [sflag:s22], $0x2800  }
0x31: {  	[sflag:s22] =	ssyncset.done $0x0  }
0x32: {  	s31 =	simm.s32 $0x2800;
	[sflag:s22] =	ssyncadd.s32 $0xFFFFD800  }
0x33: {  	[spmem:s3] =	stream.indirect.scatter.add.f32 [tilespmem:s20], [sflag:$0x3], $0x80, s31, s15, $0xb8;
	[tilespmem:$0x1F000] =	vst v63  }
0x34: {  	s28 =	simm.s32 $0x800;
	_ =	swait.ge [sflag:s13], $0x2800  }
0x35: {  	s25 =	simm.s32 $0x140;
	s26 =	simm.s32 $0x400;
	[sflag:s13] =	ssyncset.done $0x0  }
.LBB2_2:
0x36: {  	p1 =	sne.s32 s28, $0xF400;
	s29 =	sadd.s32 $0xFFFFFFB0, s25;
	[sflag:s13] =	ssyncadd.s32 $0xFFFFD800  }
0x37: {  	[tilespmem:s20], [sflag:$0x2] =	stream.indirect.gather [hbm4b:s1+s15], $0x80, s29, s15, $0xb8;
	[tilespmem:$0x1F000] =	vst v63  }
0x38: {  	s29 =	smov.u32 s28;
	s28 =	sadd.s32 $0x400, s28;
	_ =	swait.ge [sflag:s21], $0x2800  }
0x39: {  	s30 =	sshra.s32 s26, $0x2;
	s26 =	smov.u32 s29;
	[sflag:s21] =	ssyncset.done $0x0  }
0x3a: {  	s29 =	sadd.s32 $0x2780, s30;
	[sflag:s21] =	ssyncadd.s32 $0xFFFFD800  }
0x3b: {  	[spmem:s3] =	stream.indirect.scatter.add.f32 [tilespmem:s16], [sflag:$0x3], $0x80, s29, s15, $0xb8;
	[tilespmem:$0x1F000] =	vst v63  }
0x3c: {  	_ =	swait.ge [sflag:s13], $0x2800  }
0x3d: {  	[sflag:s13] =	ssyncset.done $0x0  }
0x3e: {  	[sflag:s13] =	ssyncadd.s32 $0xFFFFD800  }
0x3f: {  	[tilespmem:s16], [sflag:$0x1] =	stream.indirect.gather [hbm4b:s1+s15], $0x80, s25, s15, $0xb8;
	[tilespmem:$0x1F000] =	vst v63  }
0x40: {  	_ =	swait.ge [sflag:s22], $0x2800  }
.Ltmp0:
0x41: {  	[sflag:s22] =	ssyncset.done $0x0;
	(pc) =	sbr.rel @p1 .LBB2_2-.Ltmp0, $4  }
0x42: {  	s29 =	sadd.s32 $0x2800, s30;
	[sflag:s22] =	ssyncadd.s32 $0xFFFFD800  }
0x43: {  	[spmem:s3] =	stream.indirect.scatter.add.f32 [tilespmem:s20], [sflag:$0x3], $0x80, s29, s15, $0xb8;
	[tilespmem:$0x1F000] =	vst v63  }
0x44: {  	_ =	swait.ge [sflag:s13], $0x2800  }
0x45: {  	s25 =	sadd.s32 $0xA0, s25;
	[sflag:s13] =	ssyncset.done $0x0  }
0x46: {  	s28 =	sadd.s32 $0xFFFFFFB0, s25;
	[sflag:s13] =	ssyncadd.s32 $0xFFFFD800  }
0x47: {  	[tilespmem:s20], [sflag:$0x2] =	stream.indirect.gather [hbm4b:s1+s15], $0x80, s28, s15, $0xb8;
	[tilespmem:$0x1F000] =	vst v63  }
0x48: {  	_ =	swait.ge [sflag:s21], $0x2800  }
0x49: {  	s26 =	sshra.s32 s26, $0x2;
	[sflag:s21] =	ssyncset.done $0x0  }
0x4a: {  	s30 =	sadd.s32 $0x2780, s26;
	[sflag:s21] =	ssyncadd.s32 $0xFFFFD800  }
0x4b: {  	[spmem:s3] =	stream.indirect.scatter.add.f32 [tilespmem:s16], [sflag:$0x3], $0x80, s30, s15, $0xb8;
	[tilespmem:$0x1F000] =	vst v63  }
0x4c: {  	_ =	swait.ge [sflag:s13], $0x2800  }
0x4d: {  	[sflag:s13] =	ssyncset.done $0x0  }
0x4e: {  	[sflag:s13] =	ssyncadd.s32 $0xFFFFD800  }
0x4f: {  	[tilespmem:s16], [sflag:$0x1] =	stream.indirect.gather [hbm4b:s1+s15], $0x80, s25, s15, $0xb8;
	[tilespmem:$0x1F000] =	vst v63  }
0x50: {  	_ =	swait.ge [sflag:s22], $0x2800  }
0x51: {  	[sflag:s22] =	ssyncset.done $0x0  }
0x52: {  	s31 =	sadd.s32 $0x2800, s26;
	[sflag:s22] =	ssyncadd.s32 $0xFFFFD800  }
0x53: {  	[spmem:s3] =	stream.indirect.scatter.add.f32 [tilespmem:s20], [sflag:$0x3], $0x80, s31, s15, $0xb8;
	[tilespmem:$0x1F000] =	vst v63  }
0x54: {  	_ =	swait.ge [sflag:s13], $0x2800  }
0x55: {  	[sflag:s13] =	ssyncset.done $0x0  }
0x56: {  	[sflag:s13] =	ssyncadd.s32 $0xFFFFD800  }
0x57: {  	_ =	swait.ge [sflag:s21], $0x2800  }
0x58: {  	[sflag:s21] =	ssyncset.done $0x0  }
0x59: {  	[sflag:s21] =	ssyncadd.s32 $0xFFFFD800  }
0x5a: {  	[spmem:s3] =	stream.indirect.scatter.add.f32 [tilespmem:s16], [sflag:$0x3], $0x80, s23, s15, $0xb8;
	[tilespmem:$0x1F000] =	vst v63  }
0x5b: {  	_ =	swait.ge [sflag:s13], $0x2800  }
0x5c: {  	[sflag:s13] =	ssyncset.done $0x0  }
0x5d: {  	[sflag:s13] =	ssyncadd.s32 $0xFFFFD800  }
0x5e: {  	[bflag:$0x0] =	sbarrier.arrive $0xFFFF  }
0x5f: {  	[hbm:s8], [sflag:s17] =	dma.local [spmem:s18], $0x2700  }
0x60: {  	s24 =	sadd.s32 $0x1, s24;
	_ =	swait.ge [sflag:s13], $0x2700  }
0x61: {  	p1 =	sne.s32 s24, s10;
	[sflag:s13] =	ssyncset.done $0x0  }
.Ltmp1:
0x62: {  	s25 =	simm.s32 @!p0 $0x3;
	[sflag:s13] =	ssyncadd.s32 $0xFFFFD900;
	(pc) =	sbr.rel @p1 .LBB2_1-.Ltmp1, $4  }
0x63: {  	[hbm:s9], [sflag:s17] =	dma.local @!p0 [spmem:s19], $0x100  }
0x64: {  	_ =	swait.ge @!p0 [sflag:s25], $0x100  }
0x65: {  	[sflag:s25] =	ssyncset.done @!p0 $0x0  }
0x66: {  	[sflag:s25] =	ssyncadd.s32 @!p0 $0xFFFFFF00  }
0x67: {  	_ =	sfence.sel $0x180000  }
0x68: {  	[bflag:$0x0] =	sbarrier.arrive $0xFFFF  }
0x69: {  	p0 =	sne.s32 s0, $0x0;
	_ =	strace $0x90000047  }
0x6a: {  	s0 =	sadd.s32 @!p0 $0x100000, s2;
	[bflag:$0x2] =	sbarrier.arrive $0xFFFF  }
0x6b: {  	[sflag:s0] =	ssyncadd.tile.s32 @!p0 $0x1;
	_ =	shalt  }
.Lfunc_end2:
_tile_overlayer_lowered:
.L_overlay_start_2:
0x6c: {  	(tag) =	ssettag $0x2  }
0x6d: {  	s0 =	rddreg [dreg:$0x0];
	s2 =	stileid.u32  }
0x6e: {  	s1 =	rddreg [dreg:$0x1];
	p0 =	sne.s32 s2, $0x0  }
0x6f: {  	s3 =	rddreg [dreg:$0x2];
	[bflag:$0x3] =	sbarrier.arrive $0xFFFF;
	s2 =	simm.s32 @!p0 $0x1C03  }
0x70: {  	[timem:s3], [sflag:s2] =	dma.local @!p0 [hbm:s0], s1  }
0x71: {  	s0 =	simm.s32 @!p0 $0x3  }
0x72: {  	_ =	swait.ge @!p0 [sflag:s0], s1  }
0x73: {  	s1 =	ssub.s32 @!p0 $0x0, s1;
	[sflag:s0] =	ssyncset.done @!p0 $0x0  }
0x74: {  	[sflag:s0] =	ssyncadd.s32 @!p0 s1  }
0x75: {  	[bflag:$0x3] =	sbarrier.arrive $0xFFFF  }
0x76: {  	_ =	shalt  }

</sc_bundles>
